<compile_context>
chip_gen: v7x
topology: tpu7x:2x2x1
jax: 0.10.2.dev20260603
libtpu: 0.0.44.dev20260713+nightly
codegen_flags: <defaults>
</compile_context>

<pallas_src>
import functools

import jax
import jax.numpy as jnp
from jax import lax
from jax.experimental import pallas as pl
from jax.experimental.pallas import tpu as pltpu
from jax.experimental.pallas import tpu_sc as plsc

_B, _N, _DIM, _K = 4, 4096, 256, 16
_PW = 16
_HID = 64
_RD = 512
_RP = 512
_RM = 256
_RK = _RM * _K
_F32 = jnp.float32
_HI = lax.Precision.HIGHEST

_NSEG = 32
_ROUNDS = 4
_NC, _NS = 2, 16
_NW = _NC * _NS
_CH = 128



def _topk_body(posb_ref, posallT_ref, idx_ref):
    b = pl.program_id(0)
    posb = posb_ref[...]
    posallT = posallT_ref[...]
    xb = jnp.sum(posb * posb, axis=1, keepdims=True)
    xa = jnp.sum(posallT * posallT, axis=0, keepdims=True)
    inner = lax.dot_general(posb.astype(jnp.bfloat16),
                            posallT.astype(jnp.bfloat16),
                            (((1,), (0,)), ((), ())),
                            preferred_element_type=_F32)
    d = xb + xa - 2.0 * inner
    bits = lax.bitcast_convert_type(d, jnp.int32)
    s = jnp.where(bits < 0, bits ^ 0x7FFFFFFF, bits)
    s3 = s.reshape(_RD, _NSEG, 128)
    iota1 = lax.broadcasted_iota(jnp.int32, (_RD, _NSEG, 128), 1)
    p3 = (s3 & ~31) | iota1
    big = jnp.iinfo(jnp.int32).max
    rounds = []
    for r in range(_ROUNDS):
        mr = jnp.min(p3, axis=1, keepdims=True)
        rounds.append(mr)
        if r + 1 < _ROUNDS:
            p3 = jnp.where(iota1 == (mr & 31), big, p3)
    W = jnp.concatenate([mr.reshape(_RD, 128) for mr in rounds], axis=1)
    wcol = ((W & 31) * 128
            + (lax.broadcasted_iota(jnp.int32, (_RD, _ROUNDS * 128), 1) & 127))
    outs = []
    for _ in range(_K):
        m = jnp.min(W, axis=1, keepdims=True)
        eq = W == m
        outs.append(jnp.min(jnp.where(eq, wcol, 2 * _N), axis=1, keepdims=True))
        W = jnp.where(eq, big, W)
    idx_ref[...] = jnp.concatenate(outs, axis=1) + b * _N


def _topk(pos_flat, posT):
    grid = (_B, _N // _RD)
    return pl.pallas_call(
        _topk_body,
        grid=grid,
        in_specs=[
            pl.BlockSpec((_RD, _PW), lambda b, r: (b * (_N // _RD) + r, 0)),
            pl.BlockSpec((_PW, _N), lambda b, r: (b, 0)),
        ],
        out_specs=pl.BlockSpec((_RD, _K), lambda b, r: (b * (_N // _RD) + r, 0)),
        out_shape=jax.ShapeDtypeStruct((_B * _N, _K), jnp.int32),
    )(pos_flat, posT)



def _fuse_body(Wq_ref, Wk_ref, Wa1_ref, Wp2_ref, bq_ref, bk_ref, bp2_ref,
               ba1_ref, Wqa_ref, Wka_ref, Wpa_ref, c1_ref):
    Wa1 = Wa1_ref[...]
    mm = functools.partial(jnp.dot, preferred_element_type=_F32, precision=_HI)
    Wqa_ref[...] = mm(Wq_ref[...], Wa1)
    Wka_ref[...] = mm(Wk_ref[...], Wa1)
    Wpa_ref[...] = mm(Wp2_ref[...], Wa1)
    c1_ref[...] = ba1_ref[...] + mm(bq_ref[...] - bk_ref[...] + bp2_ref[...], Wa1)


def _fuse_weights(Wq, Wk, Wa1, W_pos2, bq, bk, b_pos2, ba1):
    return pl.pallas_call(
        _fuse_body,
        out_shape=(
            jax.ShapeDtypeStruct((_DIM, _HID), _F32),
            jax.ShapeDtypeStruct((_DIM, _HID), _F32),
            jax.ShapeDtypeStruct((_DIM, _HID), _F32),
            jax.ShapeDtypeStruct((1, _HID), _F32),
        ),
    )(Wq, Wk, Wa1, W_pos2, bq[None, :], bk[None, :], b_pos2[None, :], ba1[None, :])


_TW = 384


def _dense_body(x_ref, posb_ref, Wv_ref, bv_ref, Wqa_ref, Wka_ref,
                qa_ref, tab_ref):
    xb = x_ref[...]
    mm = functools.partial(jnp.dot, preferred_element_type=_F32)
    qa_ref[...] = mm(xb, Wqa_ref[...])
    v = mm(xb, Wv_ref[...]) + bv_ref[...]
    ka = mm(xb, Wka_ref[...])
    pad = jnp.zeros((_RP, _TW - _DIM - _HID - _PW), _F32)
    tab_ref[...] = jnp.concatenate([v, ka, posb_ref[...], pad], axis=1)


def _dense_tables(xf, pos_flat, Wv, bv, Wqa, Wka):
    grid = ((_B * _N) // _RP,)
    return pl.pallas_call(
        _dense_body,
        grid=grid,
        in_specs=[
            pl.BlockSpec((_RP, _DIM), lambda r: (r, 0)),
            pl.BlockSpec((_RP, _PW), lambda r: (r, 0)),
            pl.BlockSpec((_DIM, _DIM), lambda r: (0, 0)),
            pl.BlockSpec((1, _DIM), lambda r: (0, 0)),
            pl.BlockSpec((_DIM, _HID), lambda r: (0, 0)),
            pl.BlockSpec((_DIM, _HID), lambda r: (0, 0)),
        ],
        out_specs=[
            pl.BlockSpec((_RP, _HID), lambda r: (r, 0)),
            pl.BlockSpec((_RP, _TW), lambda r: (r, 0)),
        ],
        out_shape=[
            jax.ShapeDtypeStruct((_B * _N, _HID), _F32),
            jax.ShapeDtypeStruct((_B * _N, _TW), _F32),
        ],
    )(xf, pos_flat, Wv, bv[None, :], Wqa, Wka)



def _sc_gather(tab, idxf):
    ni = _B * _N * _K
    per_w = ni // _NW
    nch = per_w // _CH
    mesh = plsc.VectorSubcoreMesh(core_axis_name="c", subcore_axis_name="s")

    @functools.partial(
        pl.kernel,
        mesh=mesh,
        out_type=jax.ShapeDtypeStruct((ni, _TW), _F32),
        scratch_types=[
            pltpu.VMEM((_CH,), jnp.int32),
            pltpu.VMEM((_CH, _TW), _F32),
            pltpu.SemaphoreType.DMA,
        ],
    )
    def gk(tab_h, idx_h, out_h, idx_v, buf, sem):
        wid = lax.axis_index("s") * _NC + lax.axis_index("c")

        def body(i, carry):
            base = wid * per_w + i * _CH
            pltpu.sync_copy(idx_h.at[pl.ds(base, _CH)], idx_v)
            pltpu.async_copy(tab_h.at[idx_v], buf, sem).wait()
            pltpu.sync_copy(buf, out_h.at[pl.ds(base, _CH)])
            return carry

        lax.fori_loop(0, nch, body, 0)

    return gk(tab, idxf)



def _main_body(posb_ref, tabg_ref, qa_ref,
               W1p_ref, b1_ref, Wp2_ref, b2_ref, Wpa_ref, c1_ref, Wa2_ref,
               out_ref):
    mm = functools.partial(jnp.dot, preferred_element_type=_F32)
    tabg = tabg_ref[...]
    vg = tabg[:, :_DIM]
    kag = tabg[:, _DIM:_DIM + _HID]
    posg = tabg[:, _DIM + _HID:_DIM + _HID + _PW]
    prel3 = posb_ref[...].reshape(_RM, 1, _PW) - posg.reshape(_RM, _K, _PW)
    prel = prel3.reshape(_RK, _PW)
    h = jnp.maximum(mm(prel, W1p_ref[...]) + b1_ref[...], 0.0)
    pe = mm(h, Wp2_ref[...]) + b2_ref[...]
    qa_rep = jnp.broadcast_to(qa_ref[...].reshape(_RM, 1, _HID),
                              (_RM, _K, _HID)).reshape(_RK, _HID)
    ah = jnp.maximum(qa_rep - kag + mm(h, Wpa_ref[...]) + c1_ref[...],
                     0.0)
    logits = mm(ah, Wa2_ref[...])
    l3 = logits.reshape(_RM, _K, _DIM)
    mx = jnp.max(l3, axis=1, keepdims=True)
    e = jnp.exp(l3 - mx)
    s = jnp.sum(e, axis=1, keepdims=True)
    attn = e / s
    contrib = vg.reshape(_RM, _K, _DIM) + pe.reshape(_RM, _K, _DIM)
    out_ref[...] = jnp.sum(attn * contrib, axis=1)


def _main(pos_flat, tabg, qa, W1p, b_pos1, W_pos2, b_pos2, Wpa, c1, Wa2):
    grid = ((_B * _N) // _RM,)
    return pl.pallas_call(
        _main_body,
        grid=grid,
        in_specs=[
            pl.BlockSpec((_RM, _PW), lambda r: (r, 0)),
            pl.BlockSpec((_RK, _TW), lambda r: (r, 0)),
            pl.BlockSpec((_RM, _HID), lambda r: (r, 0)),
            pl.BlockSpec((_PW, _DIM), lambda r: (0, 0)),
            pl.BlockSpec((1, _DIM), lambda r: (0, 0)),
            pl.BlockSpec((_DIM, _DIM), lambda r: (0, 0)),
            pl.BlockSpec((1, _DIM), lambda r: (0, 0)),
            pl.BlockSpec((_DIM, _HID), lambda r: (0, 0)),
            pl.BlockSpec((1, _HID), lambda r: (0, 0)),
            pl.BlockSpec((_HID, _DIM), lambda r: (0, 0)),
        ],
        out_specs=pl.BlockSpec((_RM, _DIM), lambda r: (r, 0)),
        out_shape=jax.ShapeDtypeStruct((_B * _N, _DIM), _F32),
    )(pos_flat, tabg, qa, W1p, b_pos1[None, :], W_pos2,
      b_pos2[None, :], Wpa, c1, Wa2)



def kernel(x, pos, W_pos1, b_pos1, W_pos2, b_pos2, Wq, bq, Wk, bk, Wv, bv,
           Wa1, ba1, Wa2, ba2):
    xf = x.reshape(_B * _N, _DIM)
    pos_pad = jnp.pad(pos, ((0, 0), (0, 0), (0, _PW - 3)))
    pos_flat = pos_pad.reshape(_B * _N, _PW)
    posT = pos_pad.transpose(0, 2, 1).reshape(_B * _PW, _N)
    W1p = jnp.pad(W_pos1, ((0, _PW - 3), (0, 0)))

    idx = _topk(pos_flat, posT)
    Wqa, Wka, Wpa, c1 = _fuse_weights(Wq, Wk, Wa1, W_pos2, bq, bk, b_pos2, ba1)
    qa, tab = _dense_tables(xf, pos_flat, Wv, bv, Wqa, Wka)
    tabg = _sc_gather(tab, idx.reshape(-1))
    out = _main(pos_flat, tabg, qa,
                W1p, b_pos1, W_pos2, b_pos2, Wpa, c1, Wa2)
    return out.reshape(_B, _N, _DIM)

# --- scband reference (transcript-rebuilt; emitter-appended) ---
"""Pipeline reference for scband-point-transformer-layer-77060303224836 (READ-ONLY COPY).

The authoritative reference and input builder live on the scoring server;
editing this copy changes nothing except your own understanding.
"""

import jax, jax.numpy as jnp
import numpy as np

B, N, DIM, K = 4, 4096, 256, 16

def setup_inputs(seed: int = 0) -> dict:
    key = jax.random.key(seed)
    ks = jax.random.split(key, 12)
    def lin(k, i, o):
        return (jax.random.normal(k, (i, o), dtype=jnp.float32) / np.sqrt(i)).astype(jnp.float32)
    return {
        "x": jax.random.normal(ks[0], (B, N, DIM), dtype=jnp.float32),
        "pos": jax.random.normal(ks[1], (B, N, 3), dtype=jnp.float32),
        "W_pos1": lin(ks[2], 3, DIM), "b_pos1": jnp.zeros((DIM,), jnp.float32),
        "W_pos2": lin(ks[3], DIM, DIM), "b_pos2": jnp.zeros((DIM,), jnp.float32),
        "Wq": lin(ks[4], DIM, DIM), "bq": jnp.zeros((DIM,), jnp.float32),
        "Wk": lin(ks[5], DIM, DIM), "bk": jnp.zeros((DIM,), jnp.float32),
        "Wv": lin(ks[6], DIM, DIM), "bv": jnp.zeros((DIM,), jnp.float32),
        "Wa1": lin(ks[7], DIM, DIM // 4), "ba1": jnp.zeros((DIM // 4,), jnp.float32),
        "Wa2": lin(ks[8], DIM // 4, DIM), "ba2": jnp.zeros((DIM,), jnp.float32),
    }

def reference(x, pos, W_pos1, b_pos1, W_pos2, b_pos2, Wq, bq, Wk, bk, Wv, bv, Wa1, ba1, Wa2, ba2):
    b, n, d = x.shape
    inner = jnp.matmul(pos, jnp.swapaxes(pos, 2, 1))
    xx = jnp.sum(pos ** 2, axis=2, keepdims=True)
    dist = xx + jnp.swapaxes(xx, 2, 1) - 2.0 * inner
    _, idx = jax.lax.top_k(-dist, K)  # smallest distances
    idx_base = jnp.arange(b, dtype=idx.dtype).reshape(-1, 1, 1) * n
    idxf = (idx + idx_base).reshape(-1)
    neighbors = jnp.take(x.reshape(b * n, d), idxf, axis=0).reshape(b, n, K, d)
    pos_n = jnp.take(pos.reshape(b * n, 3), idxf, axis=0).reshape(b, n, K, 3)
    pos_rel = pos[:, :, None, :] - pos_n
    pe = jnp.maximum(pos_rel @ W_pos1 + b_pos1, 0.0) @ W_pos2 + b_pos2
    q = (x @ Wq + bq)[:, :, None, :]
    kk = neighbors @ Wk + bk
    v = neighbors @ Wv + bv
    attn = jnp.maximum((q - kk + pe) @ Wa1 + ba1, 0.0) @ Wa2 + ba2
    attn = jax.nn.softmax(attn, axis=2)
    out = jnp.sum(attn * (v + pe), axis=2)
    return out

if __name__ == "__main__":
    import jax
    _d = setup_inputs()
    print(jax.jit(kernel)(*tuple(_d.values())))

</pallas_src>

<mosaic_0001>
#map = affine_map<(d0, d1) -> (0, 0)>
#map1 = affine_map<(d0, d1) -> (0)>
module attributes {stable_mosaic.version = 14 : i64} {
  func.func @gk(%arg0: i32, %arg1: i32, %arg2: memref<16384x384xf32, #tpu.memory_space<hbm>>, %arg3: memref<262144xi32, #tpu.memory_space<hbm>>, %arg4: memref<262144x384xf32, #tpu.memory_space<hbm>>, %arg5: memref<128xi32, #tpu.memory_space<vmem>>, %arg6: memref<128x384xf32, #tpu.memory_space<vmem>>, %arg7: memref<!tpu.dma_semaphore, #tpu.memory_space<semaphore_mem>>) attributes {dimension_semantics = [#tpu.dimension_semantics<core_parallel>, #tpu.dimension_semantics<subcore_parallel>], iteration_bounds = array<i64: 2, 16>, scalar_prefetch = 0 : i64, scratch_operands = 3 : i64, tpu.core_type = #tpu.core_type<sc_vector_subcore>, window_params = [{transform_indices = #map}, {transform_indices = #map1}, {transform_indices = #map}]} {
    %mul3A = arith.constant 2 : i32
    %mul3A_0 = arith.muli %arg1, %mul3A : i32
    %add3A = arith.addi %mul3A_0, %arg0 : i32
    %scan3A = arith.constant 0 : i32
    %scan3A_1 = arith.constant 0 : i32
    %scan3A_2 = arith.constant 64 : i32
    %scan3A_3 = arith.addi %scan3A_1, %scan3A_2 : i32
    %scan3A_4 = arith.constant 1 : i32
    scf.for %scan3A_6 = %scan3A_1 to %scan3A_3 step %scan3A_4  : i32 {
      %mul3A_7 = arith.constant 8192 : i32
      %mul3A_8 = arith.muli %add3A, %mul3A_7 : i32
      %mul3A_9 = arith.constant 128 : i32
      %mul3A_10 = arith.muli %scan3A_6, %mul3A_9 : i32
      %add3A_11 = arith.addi %mul3A_8, %mul3A_10 : i32
      "tpu.region"() ({
        %run_scoped3A = tpu.sem_alloc : memref<!tpu.dma_semaphore, #tpu.memory_space<semaphore_mem>>
        %dma_start3A_16 = tpu.memref_slice %arg3[%add3A_11] : memref<262144xi32, #tpu.memory_space<hbm>> -> memref<128xi32, #tpu.memory_space<hbm>>
        %dma_start3A_17 = tpu.memref_slice %arg3[%add3A_11] : memref<262144xi32, #tpu.memory_space<hbm>> -> memref<128xi32, #tpu.memory_space<hbm>>
        tpu.enqueue_dma source(%dma_start3A_17 : memref<128xi32, #tpu.memory_space<hbm>>) target(%arg5 : memref<128xi32, #tpu.memory_space<vmem>>) target_semaphore(%run_scoped3A : memref<!tpu.dma_semaphore, #tpu.memory_space<semaphore_mem>>)
        %dma_wait3A_18 = tpu.memref_slice %arg3[%add3A_11] : memref<262144xi32, #tpu.memory_space<hbm>> -> memref<128xi32, #tpu.memory_space<hbm>>
        %dma_wait3A_19 = tpu.memref_slice %arg3[%add3A_11] : memref<262144xi32, #tpu.memory_space<hbm>> -> memref<128xi32, #tpu.memory_space<hbm>>
        tpu.wait_dma2 semaphore(%run_scoped3A : memref<!tpu.dma_semaphore, #tpu.memory_space<semaphore_mem>>) src(%dma_wait3A_19 : memref<128xi32, #tpu.memory_space<hbm>>) dst(%arg5 : memref<128xi32, #tpu.memory_space<vmem>>)
        tpu.yield
      }) : () -> ()
      %dma_start3A = arith.constant 0 : i32
      %dma_start3A_12 = arith.constant 0 : i32
      %dma_start3A_13 = tpu.memref_slice %arg2[%dma_start3A, %dma_start3A_12] : memref<16384x384xf32, #tpu.memory_space<hbm>> -> memref<16384x384xf32, #tpu.memory_space<hbm>>
      tpu.enqueue_indirect_dma source(%dma_start3A_13 : memref<16384x384xf32, #tpu.memory_space<hbm>>) target(%arg6 : memref<128x384xf32, #tpu.memory_space<vmem>>) offsets(%arg5 : memref<128xi32, #tpu.memory_space<vmem>>) semaphore(%arg7 : memref<!tpu.dma_semaphore, #tpu.memory_space<semaphore_mem>>)
      %dma_wait3A = arith.constant 0 : i32
      %dma_wait3A_14 = arith.constant 0 : i32
      %dma_wait3A_15 = tpu.memref_slice %arg2[%dma_wait3A, %dma_wait3A_14] : memref<16384x384xf32, #tpu.memory_space<hbm>> -> memref<16384x384xf32, #tpu.memory_space<hbm>>
      tpu.wait_indirect_dma semaphore(%arg7 : memref<!tpu.dma_semaphore, #tpu.memory_space<semaphore_mem>>) src(%dma_wait3A_15 : memref<16384x384xf32, #tpu.memory_space<hbm>>) dst(%arg6 : memref<128x384xf32, #tpu.memory_space<vmem>>)
      "tpu.region"() ({
        %run_scoped3A = tpu.sem_alloc : memref<!tpu.dma_semaphore, #tpu.memory_space<semaphore_mem>>
        %dma_start3A_16 = arith.constant 0 : i32
        %dma_start3A_17 = tpu.memref_slice %arg4[%add3A_11, %dma_start3A_16] : memref<262144x384xf32, #tpu.memory_space<hbm>> -> memref<128x384xf32, #tpu.memory_space<hbm>>
        %dma_start3A_18 = arith.constant 0 : i32
        %dma_start3A_19 = tpu.memref_slice %arg4[%add3A_11, %dma_start3A_18] : memref<262144x384xf32, #tpu.memory_space<hbm>> -> memref<128x384xf32, #tpu.memory_space<hbm>>
        tpu.enqueue_dma source(%arg6 : memref<128x384xf32, #tpu.memory_space<vmem>>) target(%dma_start3A_19 : memref<128x384xf32, #tpu.memory_space<hbm>>) target_semaphore(%run_scoped3A : memref<!tpu.dma_semaphore, #tpu.memory_space<semaphore_mem>>)
        %dma_wait3A_20 = arith.constant 0 : i32
        %dma_wait3A_21 = tpu.memref_slice %arg4[%add3A_11, %dma_wait3A_20] : memref<262144x384xf32, #tpu.memory_space<hbm>> -> memref<128x384xf32, #tpu.memory_space<hbm>>
        %dma_wait3A_22 = arith.constant 0 : i32
        %dma_wait3A_23 = tpu.memref_slice %arg4[%add3A_11, %dma_wait3A_22] : memref<262144x384xf32, #tpu.memory_space<hbm>> -> memref<128x384xf32, #tpu.memory_space<hbm>>
        tpu.wait_dma2 semaphore(%run_scoped3A : memref<!tpu.dma_semaphore, #tpu.memory_space<semaphore_mem>>) src(%arg6 : memref<128x384xf32, #tpu.memory_space<vmem>>) dst(%dma_wait3A_23 : memref<128x384xf32, #tpu.memory_space<hbm>>)
        tpu.yield
      }) : () -> ()
    }
    %scan3A_5 = arith.constant 64 : i32
    return
  }
}

module attributes {stable_mosaic.version = 14 : i64} {
  func.func @_topk_body(%arg0: i32, %arg1: i32, %arg2: memref<512x16xf32, #tpu.memory_space<vmem>>, %arg3: memref<16x4096xf32, #tpu.memory_space<vmem>>, %arg4: memref<512x16xi32, #tpu.memory_space<vmem>>) attributes {dimension_semantics = [#tpu.dimension_semantics<arbitrary>, #tpu.dimension_semantics<arbitrary>], iteration_bounds = array<i64: 4, 8>, scalar_prefetch = 0 : i64, scratch_operands = 0 : i64, tpu.core_type = #tpu.core_type<tc>, window_params = [{transform_indices = @transform_0, window_bounds = array<i64: 512, 16>}, {transform_indices = @transform_1, window_bounds = array<i64: 16, 4096>}, {transform_indices = @transform_2, window_bounds = array<i64: 512, 16>}]} {
    %get3A = arith.constant 0 : index
    %get3A_0 = arith.constant 0 : index
    %get3A_1 = vector.load %arg2[%get3A, %get3A_0] : memref<512x16xf32, #tpu.memory_space<vmem>>, vector<512x16xf32>
    %get3A_2 = arith.constant 0 : index
    %get3A_3 = arith.constant 0 : index
    %get3A_4 = vector.load %arg3[%get3A_2, %get3A_3] : memref<16x4096xf32, #tpu.memory_space<vmem>>, vector<16x4096xf32>
    %mul3A = arith.mulf %get3A_1, %get3A_1 : vector<512x16xf32>
    %reduce_sum3A = arith.constant dense<0.000000e+00> : vector<512xf32>
    %reduce_sum3A_5 = vector.multi_reduction <add>, %mul3A, %reduce_sum3A [1] : vector<512x16xf32> to vector<512xf32>
    %broadcast_in_dim3A = vector.shape_cast %reduce_sum3A_5 : vector<512xf32> to vector<512x1xf32>
    %mul3A_6 = arith.mulf %get3A_4, %get3A_4 : vector<16x4096xf32>
    %reduce_sum3A_7 = arith.constant dense<0.000000e+00> : vector<4096xf32>
    %reduce_sum3A_8 = vector.multi_reduction <add>, %mul3A_6, %reduce_sum3A_7 [0] : vector<16x4096xf32> to vector<4096xf32>
    %broadcast_in_dim3A_9 = vector.shape_cast %reduce_sum3A_8 : vector<4096xf32> to vector<1x4096xf32>
    %convert_element_type3A = arith.truncf %get3A_1 : vector<512x16xf32> to vector<512x16xbf16>
    %convert_element_type3A_10 = arith.truncf %get3A_4 : vector<16x4096xf32> to vector<16x4096xbf16>
    %dot_general3A = arith.constant dense<0.000000e+00> : vector<512x4096xf32>
    %dot_general3A_11 = tpu.matmul %convert_element_type3A, %convert_element_type3A_10, %dot_general3A {dimension_numbers = #tpu.dot_dimension_numbers<[1], [0], [0], [1], [0, 0, 1, 1], [], []>, transpose_lhs_hint = false} : vector<512x16xbf16>, vector<16x4096xbf16>, vector<512x4096xf32> -> vector<512x4096xf32>
    %add3A = vector.broadcast %broadcast_in_dim3A : vector<512x1xf32> to vector<512x4096xf32>
    %add3A_12 = vector.broadcast %broadcast_in_dim3A_9 : vector<1x4096xf32> to vector<512x4096xf32>
    %add3A_13 = arith.addf %add3A, %add3A_12 : vector<512x4096xf32>
    %mul3A_14 = arith.constant 2.000000e+00 : f32
    %mul3A_15 = vector.broadcast %mul3A_14 : f32 to vector<512x4096xf32>
    %mul3A_16 = arith.mulf %mul3A_15, %dot_general3A_11 : vector<512x4096xf32>
    %sub3A = arith.subf %add3A_13, %mul3A_16 : vector<512x4096xf32>
    %bitcast_convert_type3A = tpu.bitcast %sub3A : vector<512x4096xf32> -> vector<512x4096xi32>
    %lt3A = arith.constant 0 : i32
    %lt3A_17 = vector.broadcast %lt3A : i32 to vector<512x4096xi32>
    %lt3A_18 = arith.cmpi slt, %bitcast_convert_type3A, %lt3A_17 : vector<512x4096xi32>
    %xor3A = arith.constant 2147483647 : i32
    %xor3A_19 = vector.broadcast %xor3A : i32 to vector<512x4096xi32>
    %xor3A_20 = arith.xori %bitcast_convert_type3A, %xor3A_19 : vector<512x4096xi32>
    %select_n3A = arith.select %lt3A_18, %xor3A_20, %bitcast_convert_type3A : vector<512x4096xi1>, vector<512x4096xi32>
    %reshape3A = vector.shape_cast %select_n3A : vector<512x4096xi32> to vector<512x32x128xi32>
    %iota3A = tpu.iota {dimensions = array<i32: 1>} : vector<512x32x128xi32>
    %and3A = arith.constant -32 : i32
    %and3A_21 = vector.broadcast %and3A : i32 to vector<512x32x128xi32>
    %and3A_22 = arith.andi %reshape3A, %and3A_21 : vector<512x32x128xi32>
    %or3A = arith.ori %and3A_22, %iota3A : vector<512x32x128xi32>
    %reduce_min3A = arith.constant dense<2147483647> : vector<512x128xi32>
    %reduce_min3A_23 = vector.multi_reduction <minsi>, %or3A, %reduce_min3A [1] : vector<512x32x128xi32> to vector<512x128xi32>
    %broadcast_in_dim3A_24 = vector.shape_cast %reduce_min3A_23 : vector<512x128xi32> to vector<512x1x128xi32>
    %and3A_25 = arith.constant 31 : i32
    %and3A_26 = vector.broadcast %and3A_25 : i32 to vector<512x1x128xi32>
    %and3A_27 = arith.andi %broadcast_in_dim3A_24, %and3A_26 : vector<512x1x128xi32>
    %eq3A = vector.broadcast %and3A_27 : vector<512x1x128xi32> to vector<512x32x128xi32>
    %eq3A_28 = arith.cmpi eq, %iota3A, %eq3A : vector<512x32x128xi32>
    %jit3A = arith.constant 2147483647 : i32
    %broadcast_in_dim3A_29 = vector.broadcast %jit3A : i32 to vector<512x32x128xi32>
    %select_n3A_30 = arith.select %eq3A_28, %broadcast_in_dim3A_29, %or3A : vector<512x32x128xi1>, vector<512x32x128xi32>
    %reduce_min3A_31 = arith.constant dense<2147483647> : vector<512x128xi32>
    %reduce_min3A_32 = vector.multi_reduction <minsi>, %select_n3A_30, %reduce_min3A_31 [1] : vector<512x32x128xi32> to vector<512x128xi32>
    %broadcast_in_dim3A_33 = vector.shape_cast %reduce_min3A_32 : vector<512x128xi32> to vector<512x1x128xi32>
    %and3A_34 = arith.constant 31 : i32
    %and3A_35 = vector.broadcast %and3A_34 : i32 to vector<512x1x128xi32>
    %and3A_36 = arith.andi %broadcast_in_dim3A_33, %and3A_35 : vector<512x1x128xi32>
    %eq3A_37 = vector.broadcast %and3A_36 : vector<512x1x128xi32> to vector<512x32x128xi32>
    %eq3A_38 = arith.cmpi eq, %iota3A, %eq3A_37 : vector<512x32x128xi32>
    %jit3A_39 = arith.constant 2147483647 : i32
    %broadcast_in_dim3A_40 = vector.broadcast %jit3A_39 : i32 to vector<512x32x128xi32>
    %select_n3A_41 = arith.select %eq3A_38, %broadcast_in_dim3A_40, %select_n3A_30 : vector<512x32x128xi1>, vector<512x32x128xi32>
    %reduce_min3A_42 = arith.constant dense<2147483647> : vector<512x128xi32>
    %reduce_min3A_43 = vector.multi_reduction <minsi>, %select_n3A_41, %reduce_min3A_42 [1] : vector<512x32x128xi32> to vector<512x128xi32>
    %broadcast_in_dim3A_44 = vector.shape_cast %reduce_min3A_43 : vector<512x128xi32> to vector<512x1x128xi32>
    %and3A_45 = arith.constant 31 : i32
    %and3A_46 = vector.broadcast %and3A_45 : i32 to vector<512x1x128xi32>
    %and3A_47 = arith.andi %broadcast_in_dim3A_44, %and3A_46 : vector<512x1x128xi32>
    %eq3A_48 = vector.broadcast %and3A_47 : vector<512x1x128xi32> to vector<512x32x128xi32>
    %eq3A_49 = arith.cmpi eq, %iota3A, %eq3A_48 : vector<512x32x128xi32>
    %jit3A_50 = arith.constant 2147483647 : i32
    %broadcast_in_dim3A_51 = vector.broadcast %jit3A_50 : i32 to vector<512x32x128xi32>
    %select_n3A_52 = arith.select %eq3A_49, %broadcast_in_dim3A_51, %select_n3A_41 : vector<512x32x128xi1>, vector<512x32x128xi32>
    %reduce_min3A_53 = arith.constant dense<2147483647> : vector<512x128xi32>
    %reduce_min3A_54 = vector.multi_reduction <minsi>, %select_n3A_52, %reduce_min3A_53 [1] : vector<512x32x128xi32> to vector<512x128xi32>
    %broadcast_in_dim3A_55 = vector.shape_cast %reduce_min3A_54 : vector<512x128xi32> to vector<512x1x128xi32>
    %reshape3A_56 = vector.shape_cast %broadcast_in_dim3A_24 : vector<512x1x128xi32> to vector<512x128xi32>
    %reshape3A_57 = vector.shape_cast %broadcast_in_dim3A_33 : vector<512x1x128xi32> to vector<512x128xi32>
    %reshape3A_58 = vector.shape_cast %broadcast_in_dim3A_44 : vector<512x1x128xi32> to vector<512x128xi32>
    %reshape3A_59 = vector.shape_cast %broadcast_in_dim3A_55 : vector<512x1x128xi32> to vector<512x128xi32>
    %concatenate3A = tpu.concatenate %reshape3A_56, %reshape3A_57, %reshape3A_58, %reshape3A_59 in 1 : vector<512x128xi32>, vector<512x128xi32>, vector<512x128xi32>, vector<512x128xi32> -> vector<512x512xi32>
    %and3A_60 = arith.constant 31 : i32
    %and3A_61 = vector.broadcast %and3A_60 : i32 to vector<512x512xi32>
    %and3A_62 = arith.andi %concatenate3A, %and3A_61 : vector<512x512xi32>
    %mul3A_63 = arith.constant 128 : i32
    %mul3A_64 = vector.broadcast %mul3A_63 : i32 to vector<512x512xi32>
    %mul3A_65 = arith.muli %and3A_62, %mul3A_64 : vector<512x512xi32>
    %iota3A_66 = tpu.iota {dimensions = array<i32: 1>} : vector<512x512xi32>
    %and3A_67 = arith.constant 127 : i32
    %and3A_68 = vector.broadcast %and3A_67 : i32 to vector<512x512xi32>
    %and3A_69 = arith.andi %iota3A_66, %and3A_68 : vector<512x512xi32>
    %add3A_70 = arith.addi %mul3A_65, %and3A_69 : vector<512x512xi32>
    %reduce_min3A_71 = arith.constant dense<2147483647> : vector<512xi32>
    %reduce_min3A_72 = vector.multi_reduction <minsi>, %concatenate3A, %reduce_min3A_71 [1] : vector<512x512xi32> to vector<512xi32>
    %broadcast_in_dim3A_73 = vector.shape_cast %reduce_min3A_72 : vector<512xi32> to vector<512x1xi32>
    %eq3A_74 = vector.broadcast %broadcast_in_dim3A_73 : vector<512x1xi32> to vector<512x512xi32>
    %eq3A_75 = arith.cmpi eq, %concatenate3A, %eq3A_74 : vector<512x512xi32>
    %jit3A_76 = arith.constant 8192 : i32
    %broadcast_in_dim3A_77 = vector.broadcast %jit3A_76 : i32 to vector<512x512xi32>
    %select_n3A_78 = arith.select %eq3A_75, %add3A_70, %broadcast_in_dim3A_77 : vector<512x512xi1>, vector<512x512xi32>
    %reduce_min3A_79 = arith.constant dense<2147483647> : vector<512xi32>
    %reduce_min3A_80 = vector.multi_reduction <minsi>, %select_n3A_78, %reduce_min3A_79 [1] : vector<512x512xi32> to vector<512xi32>
    %broadcast_in_dim3A_81 = vector.shape_cast %reduce_min3A_80 : vector<512xi32> to vector<512x1xi32>
    %jit3A_82 = arith.constant 2147483647 : i32
    %broadcast_in_dim3A_83 = vector.broadcast %jit3A_82 : i32 to vector<512x512xi32>
    %select_n3A_84 = arith.select %eq3A_75, %broadcast_in_dim3A_83, %concatenate3A : vector<512x512xi1>, vector<512x512xi32>
    %reduce_min3A_85 = arith.constant dense<2147483647> : vector<512xi32>
    %reduce_min3A_86 = vector.multi_reduction <minsi>, %select_n3A_84, %reduce_min3A_85 [1] : vector<512x512xi32> to vector<512xi32>
    %broadcast_in_dim3A_87 = vector.shape_cast %reduce_min3A_86 : vector<512xi32> to vector<512x1xi32>
    %eq3A_88 = vector.broadcast %broadcast_in_dim3A_87 : vector<512x1xi32> to vector<512x512xi32>
    %eq3A_89 = arith.cmpi eq, %select_n3A_84, %eq3A_88 : vector<512x512xi32>
    %jit3A_90 = arith.constant 8192 : i32
    %broadcast_in_dim3A_91 = vector.broadcast %jit3A_90 : i32 to vector<512x512xi32>
    %select_n3A_92 = arith.select %eq3A_89, %add3A_70, %broadcast_in_dim3A_91 : vector<512x512xi1>, vector<512x512xi32>
    %reduce_min3A_93 = arith.constant dense<2147483647> : vector<512xi32>
    %reduce_min3A_94 = vector.multi_reduction <minsi>, %select_n3A_92, %reduce_min3A_93 [1] : vector<512x512xi32> to vector<512xi32>
    %broadcast_in_dim3A_95 = vector.shape_cast %reduce_min3A_94 : vector<512xi32> to vector<512x1xi32>
    %jit3A_96 = arith.constant 2147483647 : i32
    %broadcast_in_dim3A_97 = vector.broadcast %jit3A_96 : i32 to vector<512x512xi32>
    %select_n3A_98 = arith.select %eq3A_89, %broadcast_in_dim3A_97, %select_n3A_84 : vector<512x512xi1>, vector<512x512xi32>
    %reduce_min3A_99 = arith.constant dense<2147483647> : vector<512xi32>
    %reduce_min3A_100 = vector.multi_reduction <minsi>, %select_n3A_98, %reduce_min3A_99 [1] : vector<512x512xi32> to vector<512xi32>
    %broadcast_in_dim3A_101 = vector.shape_cast %reduce_min3A_100 : vector<512xi32> to vector<512x1xi32>
    %eq3A_102 = vector.broadcast %broadcast_in_dim3A_101 : vector<512x1xi32> to vector<512x512xi32>
    %eq3A_103 = arith.cmpi eq, %select_n3A_98, %eq3A_102 : vector<512x512xi32>
    %jit3A_104 = arith.constant 8192 : i32
    %broadcast_in_dim3A_105 = vector.broadcast %jit3A_104 : i32 to vector<512x512xi32>
    %select_n3A_106 = arith.select %eq3A_103, %add3A_70, %broadcast_in_dim3A_105 : vector<512x512xi1>, vector<512x512xi32>
    %reduce_min3A_107 = arith.constant dense<2147483647> : vector<512xi32>
    %reduce_min3A_108 = vector.multi_reduction <minsi>, %select_n3A_106, %reduce_min3A_107 [1] : vector<512x512xi32> to vector<512xi32>
    %broadcast_in_dim3A_109 = vector.shape_cast %reduce_min3A_108 : vector<512xi32> to vector<512x1xi32>
    %jit3A_110 = arith.constant 2147483647 : i32
    %broadcast_in_dim3A_111 = vector.broadcast %jit3A_110 : i32 to vector<512x512xi32>
    %select_n3A_112 = arith.select %eq3A_103, %broadcast_in_dim3A_111, %select_n3A_98 : vector<512x512xi1>, vector<512x512xi32>
    %reduce_min3A_113 = arith.constant dense<2147483647> : vector<512xi32>
    %reduce_min3A_114 = vector.multi_reduction <minsi>, %select_n3A_112, %reduce_min3A_113 [1] : vector<512x512xi32> to vector<512xi32>
    %broadcast_in_dim3A_115 = vector.shape_cast %reduce_min3A_114 : vector<512xi32> to vector<512x1xi32>
    %eq3A_116 = vector.broadcast %broadcast_in_dim3A_115 : vector<512x1xi32> to vector<512x512xi32>
    %eq3A_117 = arith.cmpi eq, %select_n3A_112, %eq3A_116 : vector<512x512xi32>
    %jit3A_118 = arith.constant 8192 : i32
    %broadcast_in_dim3A_119 = vector.broadcast %jit3A_118 : i32 to vector<512x512xi32>
    %select_n3A_120 = arith.select %eq3A_117, %add3A_70, %broadcast_in_dim3A_119 : vector<512x512xi1>, vector<512x512xi32>
    %reduce_min3A_121 = arith.constant dense<2147483647> : vector<512xi32>
    %reduce_min3A_122 = vector.multi_reduction <minsi>, %select_n3A_120, %reduce_min3A_121 [1] : vector<512x512xi32> to vector<512xi32>
    %broadcast_in_dim3A_123 = vector.shape_cast %reduce_min3A_122 : vector<512xi32> to vector<512x1xi32>
    %jit3A_124 = arith.constant 2147483647 : i32
    %broadcast_in_dim3A_125 = vector.broadcast %jit3A_124 : i32 to vector<512x512xi32>
    %select_n3A_126 = arith.select %eq3A_117, %broadcast_in_dim3A_125, %select_n3A_112 : vector<512x512xi1>, vector<512x512xi32>
    %reduce_min3A_127 = arith.constant dense<2147483647> : vector<512xi32>
    %reduce_min3A_128 = vector.multi_reduction <minsi>, %select_n3A_126, %reduce_min3A_127 [1] : vector<512x512xi32> to vector<512xi32>
    %broadcast_in_dim3A_129 = vector.shape_cast %reduce_min3A_128 : vector<512xi32> to vector<512x1xi32>
    %eq3A_130 = vector.broadcast %broadcast_in_dim3A_129 : vector<512x1xi32> to vector<512x512xi32>
    %eq3A_131 = arith.cmpi eq, %select_n3A_126, %eq3A_130 : vector<512x512xi32>
    %jit3A_132 = arith.constant 8192 : i32
    %broadcast_in_dim3A_133 = vector.broadcast %jit3A_132 : i32 to vector<512x512xi32>
    %select_n3A_134 = arith.select %eq3A_131, %add3A_70, %broadcast_in_dim3A_133 : vector<512x512xi1>, vector<512x512xi32>
    %reduce_min3A_135 = arith.constant dense<2147483647> : vector<512xi32>
    %reduce_min3A_136 = vector.multi_reduction <minsi>, %select_n3A_134, %reduce_min3A_135 [1] : vector<512x512xi32> to vector<512xi32>
    %broadcast_in_dim3A_137 = vector.shape_cast %reduce_min3A_136 : vector<512xi32> to vector<512x1xi32>
    %jit3A_138 = arith.constant 2147483647 : i32
    %broadcast_in_dim3A_139 = vector.broadcast %jit3A_138 : i32 to vector<512x512xi32>
    %select_n3A_140 = arith.select %eq3A_131, %broadcast_in_dim3A_139, %select_n3A_126 : vector<512x512xi1>, vector<512x512xi32>
    %reduce_min3A_141 = arith.constant dense<2147483647> : vector<512xi32>
    %reduce_min3A_142 = vector.multi_reduction <minsi>, %select_n3A_140, %reduce_min3A_141 [1] : vector<512x512xi32> to vector<512xi32>
    %broadcast_in_dim3A_143 = vector.shape_cast %reduce_min3A_142 : vector<512xi32> to vector<512x1xi32>
    %eq3A_144 = vector.broadcast %broadcast_in_dim3A_143 : vector<512x1xi32> to vector<512x512xi32>
    %eq3A_145 = arith.cmpi eq, %select_n3A_140, %eq3A_144 : vector<512x512xi32>
    %jit3A_146 = arith.constant 8192 : i32
    %broadcast_in_dim3A_147 = vector.broadcast %jit3A_146 : i32 to vector<512x512xi32>
    %select_n3A_148 = arith.select %eq3A_145, %add3A_70, %broadcast_in_dim3A_147 : vector<512x512xi1>, vector<512x512xi32>
    %reduce_min3A_149 = arith.constant dense<2147483647> : vector<512xi32>
    %reduce_min3A_150 = vector.multi_reduction <minsi>, %select_n3A_148, %reduce_min3A_149 [1] : vector<512x512xi32> to vector<512xi32>
    %broadcast_in_dim3A_151 = vector.shape_cast %reduce_min3A_150 : vector<512xi32> to vector<512x1xi32>
    %jit3A_152 = arith.constant 2147483647 : i32
    %broadcast_in_dim3A_153 = vector.broadcast %jit3A_152 : i32 to vector<512x512xi32>
    %select_n3A_154 = arith.select %eq3A_145, %broadcast_in_dim3A_153, %select_n3A_140 : vector<512x512xi1>, vector<512x512xi32>
    %reduce_min3A_155 = arith.constant dense<2147483647> : vector<512xi32>
    %reduce_min3A_156 = vector.multi_reduction <minsi>, %select_n3A_154, %reduce_min3A_155 [1] : vector<512x512xi32> to vector<512xi32>
    %broadcast_in_dim3A_157 = vector.shape_cast %reduce_min3A_156 : vector<512xi32> to vector<512x1xi32>
    %eq3A_158 = vector.broadcast %broadcast_in_dim3A_157 : vector<512x1xi32> to vector<512x512xi32>
    %eq3A_159 = arith.cmpi eq, %select_n3A_154, %eq3A_158 : vector<512x512xi32>
    %jit3A_160 = arith.constant 8192 : i32
    %broadcast_in_dim3A_161 = vector.broadcast %jit3A_160 : i32 to vector<512x512xi32>
    %select_n3A_162 = arith.select %eq3A_159, %add3A_70, %broadcast_in_dim3A_161 : vector<512x512xi1>, vector<512x512xi32>
    %reduce_min3A_163 = arith.constant dense<2147483647> : vector<512xi32>
    %reduce_min3A_164 = vector.multi_reduction <minsi>, %select_n3A_162, %reduce_min3A_163 [1] : vector<512x512xi32> to vector<512xi32>
    %broadcast_in_dim3A_165 = vector.shape_cast %reduce_min3A_164 : vector<512xi32> to vector<512x1xi32>
    %jit3A_166 = arith.constant 2147483647 : i32
    %broadcast_in_dim3A_167 = vector.broadcast %jit3A_166 : i32 to vector<512x512xi32>
    %select_n3A_168 = arith.select %eq3A_159, %broadcast_in_dim3A_167, %select_n3A_154 : vector<512x512xi1>, vector<512x512xi32>
    %reduce_min3A_169 = arith.constant dense<2147483647> : vector<512xi32>
    %reduce_min3A_170 = vector.multi_reduction <minsi>, %select_n3A_168, %reduce_min3A_169 [1] : vector<512x512xi32> to vector<512xi32>
    %broadcast_in_dim3A_171 = vector.shape_cast %reduce_min3A_170 : vector<512xi32> to vector<512x1xi32>
    %eq3A_172 = vector.broadcast %broadcast_in_dim3A_171 : vector<512x1xi32> to vector<512x512xi32>
    %eq3A_173 = arith.cmpi eq, %select_n3A_168, %eq3A_172 : vector<512x512xi32>
    %jit3A_174 = arith.constant 8192 : i32
    %broadcast_in_dim3A_175 = vector.broadcast %jit3A_174 : i32 to vector<512x512xi32>
    %select_n3A_176 = arith.select %eq3A_173, %add3A_70, %broadcast_in_dim3A_175 : vector<512x512xi1>, vector<512x512xi32>
    %reduce_min3A_177 = arith.constant dense<2147483647> : vector<512xi32>
    %reduce_min3A_178 = vector.multi_reduction <minsi>, %select_n3A_176, %reduce_min3A_177 [1] : vector<512x512xi32> to vector<512xi32>
    %broadcast_in_dim3A_179 = vector.shape_cast %reduce_min3A_178 : vector<512xi32> to vector<512x1xi32>
    %jit3A_180 = arith.constant 2147483647 : i32
    %broadcast_in_dim3A_181 = vector.broadcast %jit3A_180 : i32 to vector<512x512xi32>
    %select_n3A_182 = arith.select %eq3A_173, %broadcast_in_dim3A_181, %select_n3A_168 : vector<512x512xi1>, vector<512x512xi32>
    %reduce_min3A_183 = arith.constant dense<2147483647> : vector<512xi32>
    %reduce_min3A_184 = vector.multi_reduction <minsi>, %select_n3A_182, %reduce_min3A_183 [1] : vector<512x512xi32> to vector<512xi32>
    %broadcast_in_dim3A_185 = vector.shape_cast %reduce_min3A_184 : vector<512xi32> to vector<512x1xi32>
    %eq3A_186 = vector.broadcast %broadcast_in_dim3A_185 : vector<512x1xi32> to vector<512x512xi32>
    %eq3A_187 = arith.cmpi eq, %select_n3A_182, %eq3A_186 : vector<512x512xi32>
    %jit3A_188 = arith.constant 8192 : i32
    %broadcast_in_dim3A_189 = vector.broadcast %jit3A_188 : i32 to vector<512x512xi32>
    %select_n3A_190 = arith.select %eq3A_187, %add3A_70, %broadcast_in_dim3A_189 : vector<512x512xi1>, vector<512x512xi32>
    %reduce_min3A_191 = arith.constant dense<2147483647> : vector<512xi32>
    %reduce_min3A_192 = vector.multi_reduction <minsi>, %select_n3A_190, %reduce_min3A_191 [1] : vector<512x512xi32> to vector<512xi32>
    %broadcast_in_dim3A_193 = vector.shape_cast %reduce_min3A_192 : vector<512xi32> to vector<512x1xi32>
    %jit3A_194 = arith.constant 2147483647 : i32
    %broadcast_in_dim3A_195 = vector.broadcast %jit3A_194 : i32 to vector<512x512xi32>
    %select_n3A_196 = arith.select %eq3A_187, %broadcast_in_dim3A_195, %select_n3A_182 : vector<512x512xi1>, vector<512x512xi32>
    %reduce_min3A_197 = arith.constant dense<2147483647> : vector<512xi32>
    %reduce_min3A_198 = vector.multi_reduction <minsi>, %select_n3A_196, %reduce_min3A_197 [1] : vector<512x512xi32> to vector<512xi32>
    %broadcast_in_dim3A_199 = vector.shape_cast %reduce_min3A_198 : vector<512xi32> to vector<512x1xi32>
    %eq3A_200 = vector.broadcast %broadcast_in_dim3A_199 : vector<512x1xi32> to vector<512x512xi32>
    %eq3A_201 = arith.cmpi eq, %select_n3A_196, %eq3A_200 : vector<512x512xi32>
    %jit3A_202 = arith.constant 8192 : i32
    %broadcast_in_dim3A_203 = vector.broadcast %jit3A_202 : i32 to vector<512x512xi32>
    %select_n3A_204 = arith.select %eq3A_201, %add3A_70, %broadcast_in_dim3A_203 : vector<512x512xi1>, vector<512x512xi32>
    %reduce_min3A_205 = arith.constant dense<2147483647> : vector<512xi32>
    %reduce_min3A_206 = vector.multi_reduction <minsi>, %select_n3A_204, %reduce_min3A_205 [1] : vector<512x512xi32> to vector<512xi32>
    %broadcast_in_dim3A_207 = vector.shape_cast %reduce_min3A_206 : vector<512xi32> to vector<512x1xi32>
    %jit3A_208 = arith.constant 2147483647 : i32
    %broadcast_in_dim3A_209 = vector.broadcast %jit3A_208 : i32 to vector<512x512xi32>
    %select_n3A_210 = arith.select %eq3A_201, %broadcast_in_dim3A_209, %select_n3A_196 : vector<512x512xi1>, vector<512x512xi32>
    %reduce_min3A_211 = arith.constant dense<2147483647> : vector<512xi32>
    %reduce_min3A_212 = vector.multi_reduction <minsi>, %select_n3A_210, %reduce_min3A_211 [1] : vector<512x512xi32> to vector<512xi32>
    %broadcast_in_dim3A_213 = vector.shape_cast %reduce_min3A_212 : vector<512xi32> to vector<512x1xi32>
    %eq3A_214 = vector.broadcast %broadcast_in_dim3A_213 : vector<512x1xi32> to vector<512x512xi32>
    %eq3A_215 = arith.cmpi eq, %select_n3A_210, %eq3A_214 : vector<512x512xi32>
    %jit3A_216 = arith.constant 8192 : i32
    %broadcast_in_dim3A_217 = vector.broadcast %jit3A_216 : i32 to vector<512x512xi32>
    %select_n3A_218 = arith.select %eq3A_215, %add3A_70, %broadcast_in_dim3A_217 : vector<512x512xi1>, vector<512x512xi32>
    %reduce_min3A_219 = arith.constant dense<2147483647> : vector<512xi32>
    %reduce_min3A_220 = vector.multi_reduction <minsi>, %select_n3A_218, %reduce_min3A_219 [1] : vector<512x512xi32> to vector<512xi32>
    %broadcast_in_dim3A_221 = vector.shape_cast %reduce_min3A_220 : vector<512xi32> to vector<512x1xi32>
    %jit3A_222 = arith.constant 2147483647 : i32
    %broadcast_in_dim3A_223 = vector.broadcast %jit3A_222 : i32 to vector<512x512xi32>
    %select_n3A_224 = arith.select %eq3A_215, %broadcast_in_dim3A_223, %select_n3A_210 : vector<512x512xi1>, vector<512x512xi32>
    %reduce_min3A_225 = arith.constant dense<2147483647> : vector<512xi32>
    %reduce_min3A_226 = vector.multi_reduction <minsi>, %select_n3A_224, %reduce_min3A_225 [1] : vector<512x512xi32> to vector<512xi32>
    %broadcast_in_dim3A_227 = vector.shape_cast %reduce_min3A_226 : vector<512xi32> to vector<512x1xi32>
    %eq3A_228 = vector.broadcast %broadcast_in_dim3A_227 : vector<512x1xi32> to vector<512x512xi32>
    %eq3A_229 = arith.cmpi eq, %select_n3A_224, %eq3A_228 : vector<512x512xi32>
    %jit3A_230 = arith.constant 8192 : i32
    %broadcast_in_dim3A_231 = vector.broadcast %jit3A_230 : i32 to vector<512x512xi32>
    %select_n3A_232 = arith.select %eq3A_229, %add3A_70, %broadcast_in_dim3A_231 : vector<512x512xi1>, vector<512x512xi32>
    %reduce_min3A_233 = arith.constant dense<2147483647> : vector<512xi32>
    %reduce_min3A_234 = vector.multi_reduction <minsi>, %select_n3A_232, %reduce_min3A_233 [1] : vector<512x512xi32> to vector<512xi32>
    %broadcast_in_dim3A_235 = vector.shape_cast %reduce_min3A_234 : vector<512xi32> to vector<512x1xi32>
    %jit3A_236 = arith.constant 2147483647 : i32
    %broadcast_in_dim3A_237 = vector.broadcast %jit3A_236 : i32 to vector<512x512xi32>
    %select_n3A_238 = arith.select %eq3A_229, %broadcast_in_dim3A_237, %select_n3A_224 : vector<512x512xi1>, vector<512x512xi32>
    %reduce_min3A_239 = arith.constant dense<2147483647> : vector<512xi32>
    %reduce_min3A_240 = vector.multi_reduction <minsi>, %select_n3A_238, %reduce_min3A_239 [1] : vector<512x512xi32> to vector<512xi32>
    %broadcast_in_dim3A_241 = vector.shape_cast %reduce_min3A_240 : vector<512xi32> to vector<512x1xi32>
    %eq3A_242 = vector.broadcast %broadcast_in_dim3A_241 : vector<512x1xi32> to vector<512x512xi32>
    %eq3A_243 = arith.cmpi eq, %select_n3A_238, %eq3A_242 : vector<512x512xi32>
    %jit3A_244 = arith.constant 8192 : i32
    %broadcast_in_dim3A_245 = vector.broadcast %jit3A_244 : i32 to vector<512x512xi32>
    %select_n3A_246 = arith.select %eq3A_243, %add3A_70, %broadcast_in_dim3A_245 : vector<512x512xi1>, vector<512x512xi32>
    %reduce_min3A_247 = arith.constant dense<2147483647> : vector<512xi32>
    %reduce_min3A_248 = vector.multi_reduction <minsi>, %select_n3A_246, %reduce_min3A_247 [1] : vector<512x512xi32> to vector<512xi32>
    %broadcast_in_dim3A_249 = vector.shape_cast %reduce_min3A_248 : vector<512xi32> to vector<512x1xi32>
    %jit3A_250 = arith.constant 2147483647 : i32
    %broadcast_in_dim3A_251 = vector.broadcast %jit3A_250 : i32 to vector<512x512xi32>
    %select_n3A_252 = arith.select %eq3A_243, %broadcast_in_dim3A_251, %select_n3A_238 : vector<512x512xi1>, vector<512x512xi32>
    %reduce_min3A_253 = arith.constant dense<2147483647> : vector<512xi32>
    %reduce_min3A_254 = vector.multi_reduction <minsi>, %select_n3A_252, %reduce_min3A_253 [1] : vector<512x512xi32> to vector<512xi32>
    %broadcast_in_dim3A_255 = vector.shape_cast %reduce_min3A_254 : vector<512xi32> to vector<512x1xi32>
    %eq3A_256 = vector.broadcast %broadcast_in_dim3A_255 : vector<512x1xi32> to vector<512x512xi32>
    %eq3A_257 = arith.cmpi eq, %select_n3A_252, %eq3A_256 : vector<512x512xi32>
    %jit3A_258 = arith.constant 8192 : i32
    %broadcast_in_dim3A_259 = vector.broadcast %jit3A_258 : i32 to vector<512x512xi32>
    %select_n3A_260 = arith.select %eq3A_257, %add3A_70, %broadcast_in_dim3A_259 : vector<512x512xi1>, vector<512x512xi32>
    %reduce_min3A_261 = arith.constant dense<2147483647> : vector<512xi32>
    %reduce_min3A_262 = vector.multi_reduction <minsi>, %select_n3A_260, %reduce_min3A_261 [1] : vector<512x512xi32> to vector<512xi32>
    %broadcast_in_dim3A_263 = vector.shape_cast %reduce_min3A_262 : vector<512xi32> to vector<512x1xi32>
    %jit3A_264 = arith.constant 2147483647 : i32
    %broadcast_in_dim3A_265 = vector.broadcast %jit3A_264 : i32 to vector<512x512xi32>
    %select_n3A_266 = arith.select %eq3A_257, %broadcast_in_dim3A_265, %select_n3A_252 : vector<512x512xi1>, vector<512x512xi32>
    %reduce_min3A_267 = arith.constant dense<2147483647> : vector<512xi32>
    %reduce_min3A_268 = vector.multi_reduction <minsi>, %select_n3A_266, %reduce_min3A_267 [1] : vector<512x512xi32> to vector<512xi32>
    %broadcast_in_dim3A_269 = vector.shape_cast %reduce_min3A_268 : vector<512xi32> to vector<512x1xi32>
    %eq3A_270 = vector.broadcast %broadcast_in_dim3A_269 : vector<512x1xi32> to vector<512x512xi32>
    %eq3A_271 = arith.cmpi eq, %select_n3A_266, %eq3A_270 : vector<512x512xi32>
    %jit3A_272 = arith.constant 8192 : i32
    %broadcast_in_dim3A_273 = vector.broadcast %jit3A_272 : i32 to vector<512x512xi32>
    %select_n3A_274 = arith.select %eq3A_271, %add3A_70, %broadcast_in_dim3A_273 : vector<512x512xi1>, vector<512x512xi32>
    %reduce_min3A_275 = arith.constant dense<2147483647> : vector<512xi32>
    %reduce_min3A_276 = vector.multi_reduction <minsi>, %select_n3A_274, %reduce_min3A_275 [1] : vector<512x512xi32> to vector<512xi32>
    %broadcast_in_dim3A_277 = vector.shape_cast %reduce_min3A_276 : vector<512xi32> to vector<512x1xi32>
    %jit3A_278 = arith.constant 2147483647 : i32
    %broadcast_in_dim3A_279 = vector.broadcast %jit3A_278 : i32 to vector<512x512xi32>
    %select_n3A_280 = arith.select %eq3A_271, %broadcast_in_dim3A_279, %select_n3A_266 : vector<512x512xi1>, vector<512x512xi32>
    %reduce_min3A_281 = arith.constant dense<2147483647> : vector<512xi32>
    %reduce_min3A_282 = vector.multi_reduction <minsi>, %select_n3A_280, %reduce_min3A_281 [1] : vector<512x512xi32> to vector<512xi32>
    %broadcast_in_dim3A_283 = vector.shape_cast %reduce_min3A_282 : vector<512xi32> to vector<512x1xi32>
    %eq3A_284 = vector.broadcast %broadcast_in_dim3A_283 : vector<512x1xi32> to vector<512x512xi32>
    %eq3A_285 = arith.cmpi eq, %select_n3A_280, %eq3A_284 : vector<512x512xi32>
    %jit3A_286 = arith.constant 8192 : i32
    %broadcast_in_dim3A_287 = vector.broadcast %jit3A_286 : i32 to vector<512x512xi32>
    %select_n3A_288 = arith.select %eq3A_285, %add3A_70, %broadcast_in_dim3A_287 : vector<512x512xi1>, vector<512x512xi32>
    %reduce_min3A_289 = arith.constant dense<2147483647> : vector<512xi32>
    %reduce_min3A_290 = vector.multi_reduction <minsi>, %select_n3A_288, %reduce_min3A_289 [1] : vector<512x512xi32> to vector<512xi32>
    %broadcast_in_dim3A_291 = vector.shape_cast %reduce_min3A_290 : vector<512xi32> to vector<512x1xi32>
    %concatenate3A_292 = tpu.concatenate %broadcast_in_dim3A_81, %broadcast_in_dim3A_95, %broadcast_in_dim3A_109, %broadcast_in_dim3A_123, %broadcast_in_dim3A_137, %broadcast_in_dim3A_151, %broadcast_in_dim3A_165, %broadcast_in_dim3A_179, %broadcast_in_dim3A_193, %broadcast_in_dim3A_207, %broadcast_in_dim3A_221, %broadcast_in_dim3A_235, %broadcast_in_dim3A_249, %broadcast_in_dim3A_263, %broadcast_in_dim3A_277, %broadcast_in_dim3A_291 in 1 : vector<512x1xi32>, vector<512x1xi32>, vector<512x1xi32>, vector<512x1xi32>, vector<512x1xi32>, vector<512x1xi32>, vector<512x1xi32>, vector<512x1xi32>, vector<512x1xi32>, vector<512x1xi32>, vector<512x1xi32>, vector<512x1xi32>, vector<512x1xi32>, vector<512x1xi32>, vector<512x1xi32>, vector<512x1xi32> -> vector<512x16xi32>
    %mul3A_293 = arith.constant 4096 : i32
    %mul3A_294 = arith.muli %arg0, %mul3A_293 : i32
    %add3A_295 = vector.broadcast %mul3A_294 : i32 to vector<512x16xi32>
    %add3A_296 = arith.addi %concatenate3A_292, %add3A_295 : vector<512x16xi32>
    %swap3A = arith.constant 0 : index
    %swap3A_297 = arith.constant 0 : index
    %swap3A_298 = vector.load %arg4[%swap3A, %swap3A_297] : memref<512x16xi32, #tpu.memory_space<vmem>>, vector<512x16xi32>
    tpu.vector_store %arg4[%swap3A, %swap3A_297], %add3A_296 {strides = array<i32>} : memref<512x16xi32, #tpu.memory_space<vmem>>, vector<512x16xi32>,
    return
  }
  func.func @transform_0(%arg0: i32, %arg1: i32) -> (i32, i32) {
    %mul3A = arith.constant 8 : i32
    %mul3A_0 = arith.muli %arg0, %mul3A : i32
    %add3A = arith.addi %mul3A_0, %arg1 : i32
    %c0_i32 = arith.constant 0 : i32
    %c0_i32_1 = arith.constant 0 : i32
    return %add3A, %c0_i32 : i32, i32
  }
  func.func @transform_1(%arg0: i32, %arg1: i32) -> (i32, i32) {
    %c0_i32 = arith.constant 0 : i32
    %c0_i32_0 = arith.constant 0 : i32
    return %arg0, %c0_i32 : i32, i32
  }
  func.func @transform_2(%arg0: i32, %arg1: i32) -> (i32, i32) {
    %mul3A = arith.constant 8 : i32
    %mul3A_0 = arith.muli %arg0, %mul3A : i32
    %add3A = arith.addi %mul3A_0, %arg1 : i32
    %c0_i32 = arith.constant 0 : i32
    %c0_i32_1 = arith.constant 0 : i32
    return %add3A, %c0_i32 : i32, i32
  }
}

module attributes {stable_mosaic.version = 14 : i64} {
  func.func @_fuse_body(%arg0: memref<256x256xf32, #tpu.memory_space<vmem>>, %arg1: memref<256x256xf32, #tpu.memory_space<vmem>>, %arg2: memref<256x64xf32, #tpu.memory_space<vmem>>, %arg3: memref<256x256xf32, #tpu.memory_space<vmem>>, %arg4: memref<1x256xf32, #tpu.memory_space<vmem>>, %arg5: memref<1x256xf32, #tpu.memory_space<vmem>>, %arg6: memref<1x256xf32, #tpu.memory_space<vmem>>, %arg7: memref<1x64xf32, #tpu.memory_space<vmem>>, %arg8: memref<256x64xf32, #tpu.memory_space<vmem>>, %arg9: memref<256x64xf32, #tpu.memory_space<vmem>>, %arg10: memref<256x64xf32, #tpu.memory_space<vmem>>, %arg11: memref<1x64xf32, #tpu.memory_space<vmem>>) attributes {dimension_semantics = [], scalar_prefetch = 0 : i64, scratch_operands = 0 : i64, tpu.core_type = #tpu.core_type<tc>} {
    %get3A = arith.constant 0 : index
    %get3A_0 = arith.constant 0 : index
    %get3A_1 = vector.load %arg2[%get3A, %get3A_0] : memref<256x64xf32, #tpu.memory_space<vmem>>, vector<256x64xf32>
    %get3A_2 = arith.constant 0 : index
    %get3A_3 = arith.constant 0 : index
    %get3A_4 = vector.load %arg0[%get3A_2, %get3A_3] : memref<256x256xf32, #tpu.memory_space<vmem>>, vector<256x256xf32>
    %dot_general3A = arith.constant dense<0.000000e+00> : vector<256x64xf32>
    %dot_general3A_5 = tpu.matmul %get3A_4, %get3A_1, %dot_general3A {dimension_numbers = #tpu.dot_dimension_numbers<[1], [0], [0], [1], [0, 0, 1, 1], [], []>, precision = #tpu.contract_precision<fp32>, transpose_lhs_hint = false} : vector<256x256xf32>, vector<256x64xf32>, vector<256x64xf32> -> vector<256x64xf32>
    %swap3A = arith.constant 0 : index
    %swap3A_6 = arith.constant 0 : index
    %swap3A_7 = vector.load %arg8[%swap3A, %swap3A_6] : memref<256x64xf32, #tpu.memory_space<vmem>>, vector<256x64xf32>
    tpu.vector_store %arg8[%swap3A, %swap3A_6], %dot_general3A_5 {strides = array<i32>} : memref<256x64xf32, #tpu.memory_space<vmem>>, vector<256x64xf32>,
    %get3A_8 = arith.constant 0 : index
    %get3A_9 = arith.constant 0 : index
    %get3A_10 = vector.load %arg1[%get3A_8, %get3A_9] : memref<256x256xf32, #tpu.memory_space<vmem>>, vector<256x256xf32>
    %dot_general3A_11 = arith.constant dense<0.000000e+00> : vector<256x64xf32>
    %dot_general3A_12 = tpu.matmul %get3A_10, %get3A_1, %dot_general3A_11 {dimension_numbers = #tpu.dot_dimension_numbers<[1], [0], [0], [1], [0, 0, 1, 1], [], []>, precision = #tpu.contract_precision<fp32>, transpose_lhs_hint = false} : vector<256x256xf32>, vector<256x64xf32>, vector<256x64xf32> -> vector<256x64xf32>
    %swap3A_13 = arith.constant 0 : index
    %swap3A_14 = arith.constant 0 : index
    %swap3A_15 = vector.load %arg9[%swap3A_13, %swap3A_14] : memref<256x64xf32, #tpu.memory_space<vmem>>, vector<256x64xf32>
    tpu.vector_store %arg9[%swap3A_13, %swap3A_14], %dot_general3A_12 {strides = array<i32>} : memref<256x64xf32, #tpu.memory_space<vmem>>, vector<256x64xf32>,
    %get3A_16 = arith.constant 0 : index
    %get3A_17 = arith.constant 0 : index
    %get3A_18 = vector.load %arg3[%get3A_16, %get3A_17] : memref<256x256xf32, #tpu.memory_space<vmem>>, vector<256x256xf32>
    %dot_general3A_19 = arith.constant dense<0.000000e+00> : vector<256x64xf32>
    %dot_general3A_20 = tpu.matmul %get3A_18, %get3A_1, %dot_general3A_19 {dimension_numbers = #tpu.dot_dimension_numbers<[1], [0], [0], [1], [0, 0, 1, 1], [], []>, precision = #tpu.contract_precision<fp32>, transpose_lhs_hint = false} : vector<256x256xf32>, vector<256x64xf32>, vector<256x64xf32> -> vector<256x64xf32>
    %swap3A_21 = arith.constant 0 : index
    %swap3A_22 = arith.constant 0 : index
    %swap3A_23 = vector.load %arg10[%swap3A_21, %swap3A_22] : memref<256x64xf32, #tpu.memory_space<vmem>>, vector<256x64xf32>
    tpu.vector_store %arg10[%swap3A_21, %swap3A_22], %dot_general3A_20 {strides = array<i32>} : memref<256x64xf32, #tpu.memory_space<vmem>>, vector<256x64xf32>,
    %get3A_24 = arith.constant 0 : index
    %get3A_25 = arith.constant 0 : index
    %get3A_26 = vector.load %arg7[%get3A_24, %get3A_25] : memref<1x64xf32, #tpu.memory_space<vmem>>, vector<1x64xf32>
    %get3A_27 = arith.constant 0 : index
    %get3A_28 = arith.constant 0 : index
    %get3A_29 = vector.load %arg4[%get3A_27, %get3A_28] : memref<1x256xf32, #tpu.memory_space<vmem>>, vector<1x256xf32>
    %get3A_30 = arith.constant 0 : index
    %get3A_31 = arith.constant 0 : index
    %get3A_32 = vector.load %arg5[%get3A_30, %get3A_31] : memref<1x256xf32, #tpu.memory_space<vmem>>, vector<1x256xf32>
    %sub3A = arith.subf %get3A_29, %get3A_32 : vector<1x256xf32>
    %get3A_33 = arith.constant 0 : index
    %get3A_34 = arith.constant 0 : index
    %get3A_35 = vector.load %arg6[%get3A_33, %get3A_34] : memref<1x256xf32, #tpu.memory_space<vmem>>, vector<1x256xf32>
    %add3A = arith.addf %sub3A, %get3A_35 : vector<1x256xf32>
    %dot_general3A_36 = arith.constant dense<0.000000e+00> : vector<1x64xf32>
    %dot_general3A_37 = tpu.matmul %add3A, %get3A_1, %dot_general3A_36 {dimension_numbers = #tpu.dot_dimension_numbers<[1], [0], [0], [1], [0, 0, 1, 1], [], []>, precision = #tpu.contract_precision<fp32>, transpose_lhs_hint = false} : vector<1x256xf32>, vector<256x64xf32>, vector<1x64xf32> -> vector<1x64xf32>
    %add3A_38 = arith.addf %get3A_26, %dot_general3A_37 : vector<1x64xf32>
    %swap3A_39 = arith.constant 0 : index
    %swap3A_40 = arith.constant 0 : index
    %swap3A_41 = vector.load %arg11[%swap3A_39, %swap3A_40] : memref<1x64xf32, #tpu.memory_space<vmem>>, vector<1x64xf32>
    tpu.vector_store %arg11[%swap3A_39, %swap3A_40], %add3A_38 {strides = array<i32>} : memref<1x64xf32, #tpu.memory_space<vmem>>, vector<1x64xf32>,
    return
  }
}

module attributes {stable_mosaic.version = 14 : i64} {
  func.func @_dense_body(%arg0: i32, %arg1: memref<512x256xf32, #tpu.memory_space<vmem>>, %arg2: memref<512x16xf32, #tpu.memory_space<vmem>>, %arg3: memref<256x256xf32, #tpu.memory_space<vmem>>, %arg4: memref<1x256xf32, #tpu.memory_space<vmem>>, %arg5: memref<256x64xf32, #tpu.memory_space<vmem>>, %arg6: memref<256x64xf32, #tpu.memory_space<vmem>>, %arg7: memref<512x64xf32, #tpu.memory_space<vmem>>, %arg8: memref<512x384xf32, #tpu.memory_space<vmem>>) attributes {dimension_semantics = [#tpu.dimension_semantics<arbitrary>], iteration_bounds = array<i64: 32>, scalar_prefetch = 0 : i64, scratch_operands = 0 : i64, tpu.core_type = #tpu.core_type<tc>, window_params = [{transform_indices = @transform_0, window_bounds = array<i64: 512, 256>}, {transform_indices = @transform_1, window_bounds = array<i64: 512, 16>}, {pipeline_mode = #tpu.pipeline_mode<synchronous>, transform_indices = @transform_2, window_bounds = array<i64: 256, 256>}, {pipeline_mode = #tpu.pipeline_mode<synchronous>, transform_indices = @transform_3, window_bounds = array<i64: 1, 256>}, {pipeline_mode = #tpu.pipeline_mode<synchronous>, transform_indices = @transform_4, window_bounds = array<i64: 256, 64>}, {pipeline_mode = #tpu.pipeline_mode<synchronous>, transform_indices = @transform_5, window_bounds = array<i64: 256, 64>}, {transform_indices = @transform_6, window_bounds = array<i64: 512, 64>}, {transform_indices = @transform_7, window_bounds = array<i64: 512, 384>}]} {
    %get3A = arith.constant 0 : index
    %get3A_0 = arith.constant 0 : index
    %get3A_1 = vector.load %arg1[%get3A, %get3A_0] : memref<512x256xf32, #tpu.memory_space<vmem>>, vector<512x256xf32>
    %get3A_2 = arith.constant 0 : index
    %get3A_3 = arith.constant 0 : index
    %get3A_4 = vector.load %arg5[%get3A_2, %get3A_3] : memref<256x64xf32, #tpu.memory_space<vmem>>, vector<256x64xf32>
    %dot_general3A = arith.constant dense<0.000000e+00> : vector<512x64xf32>
    %dot_general3A_5 = tpu.matmul %get3A_1, %get3A_4, %dot_general3A {dimension_numbers = #tpu.dot_dimension_numbers<[1], [0], [0], [1], [0, 0, 1, 1], [], []>, transpose_lhs_hint = false} : vector<512x256xf32>, vector<256x64xf32>, vector<512x64xf32> -> vector<512x64xf32>
    %swap3A = arith.constant 0 : index
    %swap3A_6 = arith.constant 0 : index
    %swap3A_7 = vector.load %arg7[%swap3A, %swap3A_6] : memref<512x64xf32, #tpu.memory_space<vmem>>, vector<512x64xf32>
    tpu.vector_store %arg7[%swap3A, %swap3A_6], %dot_general3A_5 {strides = array<i32>} : memref<512x64xf32, #tpu.memory_space<vmem>>, vector<512x64xf32>,
    %get3A_8 = arith.constant 0 : index
    %get3A_9 = arith.constant 0 : index
    %get3A_10 = vector.load %arg3[%get3A_8, %get3A_9] : memref<256x256xf32, #tpu.memory_space<vmem>>, vector<256x256xf32>
    %dot_general3A_11 = arith.constant dense<0.000000e+00> : vector<512x256xf32>
    %dot_general3A_12 = tpu.matmul %get3A_1, %get3A_10, %dot_general3A_11 {dimension_numbers = #tpu.dot_dimension_numbers<[1], [0], [0], [1], [0, 0, 1, 1], [], []>, transpose_lhs_hint = false} : vector<512x256xf32>, vector<256x256xf32>, vector<512x256xf32> -> vector<512x256xf32>
    %get3A_13 = arith.constant 0 : index
    %get3A_14 = arith.constant 0 : index
    %get3A_15 = vector.load %arg4[%get3A_13, %get3A_14] : memref<1x256xf32, #tpu.memory_space<vmem>>, vector<1x256xf32>
    %add3A = vector.broadcast %get3A_15 : vector<1x256xf32> to vector<512x256xf32>
    %add3A_16 = arith.addf %dot_general3A_12, %add3A : vector<512x256xf32>
    %get3A_17 = arith.constant 0 : index
    %get3A_18 = arith.constant 0 : index
    %get3A_19 = vector.load %arg6[%get3A_17, %get3A_18] : memref<256x64xf32, #tpu.memory_space<vmem>>, vector<256x64xf32>
    %dot_general3A_20 = arith.constant dense<0.000000e+00> : vector<512x64xf32>
    %dot_general3A_21 = tpu.matmul %get3A_1, %get3A_19, %dot_general3A_20 {dimension_numbers = #tpu.dot_dimension_numbers<[1], [0], [0], [1], [0, 0, 1, 1], [], []>, transpose_lhs_hint = false} : vector<512x256xf32>, vector<256x64xf32>, vector<512x64xf32> -> vector<512x64xf32>
    %broadcast_in_dim3A = arith.constant 0.000000e+00 : f32
    %broadcast_in_dim3A_22 = vector.broadcast %broadcast_in_dim3A : f32 to vector<512x48xf32>
    %get3A_23 = arith.constant 0 : index
    %get3A_24 = arith.constant 0 : index
    %get3A_25 = vector.load %arg2[%get3A_23, %get3A_24] : memref<512x16xf32, #tpu.memory_space<vmem>>, vector<512x16xf32>
    %concatenate3A = tpu.concatenate %add3A_16, %dot_general3A_21, %get3A_25, %broadcast_in_dim3A_22 in 1 : vector<512x256xf32>, vector<512x64xf32>, vector<512x16xf32>, vector<512x48xf32> -> vector<512x384xf32>
    %swap3A_26 = arith.constant 0 : index
    %swap3A_27 = arith.constant 0 : index
    %swap3A_28 = vector.load %arg8[%swap3A_26, %swap3A_27] : memref<512x384xf32, #tpu.memory_space<vmem>>, vector<512x384xf32>
    tpu.vector_store %arg8[%swap3A_26, %swap3A_27], %concatenate3A {strides = array<i32>} : memref<512x384xf32, #tpu.memory_space<vmem>>, vector<512x384xf32>,
    return
  }
  func.func @transform_0(%arg0: i32) -> (i32, i32) {
    %c0_i32 = arith.constant 0 : i32
    %c0_i32_0 = arith.constant 0 : i32
    return %arg0, %c0_i32 : i32, i32
  }
  func.func @transform_1(%arg0: i32) -> (i32, i32) {
    %c0_i32 = arith.constant 0 : i32
    %c0_i32_0 = arith.constant 0 : i32
    return %arg0, %c0_i32 : i32, i32
  }
  func.func @transform_2(%arg0: i32) -> (i32, i32) {
    %c0_i32 = arith.constant 0 : i32
    %c0_i32_0 = arith.constant 0 : i32
    %c0_i32_1 = arith.constant 0 : i32
    return %c0_i32, %c0_i32_0 : i32, i32
  }
  func.func @transform_3(%arg0: i32) -> (i32, i32) {
    %c0_i32 = arith.constant 0 : i32
    %c0_i32_0 = arith.constant 0 : i32
    %c0_i32_1 = arith.constant 0 : i32
    return %c0_i32, %c0_i32_0 : i32, i32
  }
  func.func @transform_4(%arg0: i32) -> (i32, i32) {
    %c0_i32 = arith.constant 0 : i32
    %c0_i32_0 = arith.constant 0 : i32
    %c0_i32_1 = arith.constant 0 : i32
    return %c0_i32, %c0_i32_0 : i32, i32
  }
  func.func @transform_5(%arg0: i32) -> (i32, i32) {
    %c0_i32 = arith.constant 0 : i32
    %c0_i32_0 = arith.constant 0 : i32
    %c0_i32_1 = arith.constant 0 : i32
    return %c0_i32, %c0_i32_0 : i32, i32
  }
  func.func @transform_6(%arg0: i32) -> (i32, i32) {
    %c0_i32 = arith.constant 0 : i32
    %c0_i32_0 = arith.constant 0 : i32
    return %arg0, %c0_i32 : i32, i32
  }
  func.func @transform_7(%arg0: i32) -> (i32, i32) {
    %c0_i32 = arith.constant 0 : i32
    %c0_i32_0 = arith.constant 0 : i32
    return %arg0, %c0_i32 : i32, i32
  }
}

module attributes {stable_mosaic.version = 14 : i64} {
  func.func @_main_body(%arg0: i32, %arg1: memref<256x16xf32, #tpu.memory_space<vmem>>, %arg2: memref<4096x384xf32, #tpu.memory_space<vmem>>, %arg3: memref<256x64xf32, #tpu.memory_space<vmem>>, %arg4: memref<16x256xf32, #tpu.memory_space<vmem>>, %arg5: memref<1x256xf32, #tpu.memory_space<vmem>>, %arg6: memref<256x256xf32, #tpu.memory_space<vmem>>, %arg7: memref<1x256xf32, #tpu.memory_space<vmem>>, %arg8: memref<256x64xf32, #tpu.memory_space<vmem>>, %arg9: memref<1x64xf32, #tpu.memory_space<vmem>>, %arg10: memref<64x256xf32, #tpu.memory_space<vmem>>, %arg11: memref<256x256xf32, #tpu.memory_space<vmem>>) attributes {dimension_semantics = [#tpu.dimension_semantics<arbitrary>], iteration_bounds = array<i64: 64>, scalar_prefetch = 0 : i64, scratch_operands = 0 : i64, tpu.core_type = #tpu.core_type<tc>, window_params = [{transform_indices = @transform_0, window_bounds = array<i64: 256, 16>}, {transform_indices = @transform_1, window_bounds = array<i64: 4096, 384>}, {transform_indices = @transform_2, window_bounds = array<i64: 256, 64>}, {pipeline_mode = #tpu.pipeline_mode<synchronous>, transform_indices = @transform_3, window_bounds = array<i64: 16, 256>}, {pipeline_mode = #tpu.pipeline_mode<synchronous>, transform_indices = @transform_4, window_bounds = array<i64: 1, 256>}, {pipeline_mode = #tpu.pipeline_mode<synchronous>, transform_indices = @transform_5, window_bounds = array<i64: 256, 256>}, {pipeline_mode = #tpu.pipeline_mode<synchronous>, transform_indices = @transform_6, window_bounds = array<i64: 1, 256>}, {pipeline_mode = #tpu.pipeline_mode<synchronous>, transform_indices = @transform_7, window_bounds = array<i64: 256, 64>}, {pipeline_mode = #tpu.pipeline_mode<synchronous>, transform_indices = @transform_8, window_bounds = array<i64: 1, 64>}, {pipeline_mode = #tpu.pipeline_mode<synchronous>, transform_indices = @transform_9, window_bounds = array<i64: 64, 256>}, {transform_indices = @transform_10, window_bounds = array<i64: 256, 256>}]} {
    %get3A = arith.constant 0 : index
    %get3A_0 = arith.constant 0 : index
    %get3A_1 = vector.load %arg2[%get3A, %get3A_0] : memref<4096x384xf32, #tpu.memory_space<vmem>>, vector<4096x384xf32>
    %slice3A = vector.extract_strided_slice %get3A_1 {offsets = [0, 0], sizes = [4096, 256], strides = [1, 1]} : vector<4096x384xf32> to vector<4096x256xf32>
    %slice3A_2 = vector.extract_strided_slice %get3A_1 {offsets = [0, 256], sizes = [4096, 64], strides = [1, 1]} : vector<4096x384xf32> to vector<4096x64xf32>
    %slice3A_3 = vector.extract_strided_slice %get3A_1 {offsets = [0, 320], sizes = [4096, 16], strides = [1, 1]} : vector<4096x384xf32> to vector<4096x16xf32>
    %get3A_4 = arith.constant 0 : index
    %get3A_5 = arith.constant 0 : index
    %get3A_6 = vector.load %arg1[%get3A_4, %get3A_5] : memref<256x16xf32, #tpu.memory_space<vmem>>, vector<256x16xf32>
    %reshape3A = vector.shape_cast %get3A_6 : vector<256x16xf32> to vector<256x1x16xf32>
    %reshape3A_7 = vector.shape_cast %slice3A_3 : vector<4096x16xf32> to vector<256x16x16xf32>
    %sub3A = vector.broadcast %reshape3A : vector<256x1x16xf32> to vector<256x16x16xf32>
    %sub3A_8 = arith.subf %sub3A, %reshape3A_7 : vector<256x16x16xf32>
    %reshape3A_9 = vector.shape_cast %sub3A_8 : vector<256x16x16xf32> to vector<4096x16xf32>
    %get3A_10 = arith.constant 0 : index
    %get3A_11 = arith.constant 0 : index
    %get3A_12 = vector.load %arg4[%get3A_10, %get3A_11] : memref<16x256xf32, #tpu.memory_space<vmem>>, vector<16x256xf32>
    %dot_general3A = arith.constant dense<0.000000e+00> : vector<4096x256xf32>
    %dot_general3A_13 = tpu.matmul %reshape3A_9, %get3A_12, %dot_general3A {dimension_numbers = #tpu.dot_dimension_numbers<[1], [0], [0], [1], [0, 0, 1, 1], [], []>, transpose_lhs_hint = false} : vector<4096x16xf32>, vector<16x256xf32>, vector<4096x256xf32> -> vector<4096x256xf32>
    %get3A_14 = arith.constant 0 : index
    %get3A_15 = arith.constant 0 : index
    %get3A_16 = vector.load %arg5[%get3A_14, %get3A_15] : memref<1x256xf32, #tpu.memory_space<vmem>>, vector<1x256xf32>
    %add3A = vector.broadcast %get3A_16 : vector<1x256xf32> to vector<4096x256xf32>
    %add3A_17 = arith.addf %dot_general3A_13, %add3A : vector<4096x256xf32>
    %max3A = arith.constant 0.000000e+00 : f32
    %max3A_18 = vector.broadcast %max3A : f32 to vector<4096x256xf32>
    %max3A_19 = arith.maximumf %add3A_17, %max3A_18 : vector<4096x256xf32>
    %get3A_20 = arith.constant 0 : index
    %get3A_21 = arith.constant 0 : index
    %get3A_22 = vector.load %arg6[%get3A_20, %get3A_21] : memref<256x256xf32, #tpu.memory_space<vmem>>, vector<256x256xf32>
    %dot_general3A_23 = arith.constant dense<0.000000e+00> : vector<4096x256xf32>
    %dot_general3A_24 = tpu.matmul %max3A_19, %get3A_22, %dot_general3A_23 {dimension_numbers = #tpu.dot_dimension_numbers<[1], [0], [0], [1], [0, 0, 1, 1], [], []>, transpose_lhs_hint = false} : vector<4096x256xf32>, vector<256x256xf32>, vector<4096x256xf32> -> vector<4096x256xf32>
    %get3A_25 = arith.constant 0 : index
    %get3A_26 = arith.constant 0 : index
    %get3A_27 = vector.load %arg7[%get3A_25, %get3A_26] : memref<1x256xf32, #tpu.memory_space<vmem>>, vector<1x256xf32>
    %add3A_28 = vector.broadcast %get3A_27 : vector<1x256xf32> to vector<4096x256xf32>
    %add3A_29 = arith.addf %dot_general3A_24, %add3A_28 : vector<4096x256xf32>
    %get3A_30 = arith.constant 0 : index
    %get3A_31 = arith.constant 0 : index
    %get3A_32 = vector.load %arg3[%get3A_30, %get3A_31] : memref<256x64xf32, #tpu.memory_space<vmem>>, vector<256x64xf32>
    %reshape3A_33 = vector.shape_cast %get3A_32 : vector<256x64xf32> to vector<256x1x64xf32>
    %broadcast_in_dim3A = vector.shape_cast %reshape3A_33 : vector<256x1x64xf32> to vector<256x1x64xf32>
    %broadcast_in_dim3A_34 = vector.broadcast %broadcast_in_dim3A : vector<256x1x64xf32> to vector<256x16x64xf32>
    %reshape3A_35 = vector.shape_cast %broadcast_in_dim3A_34 : vector<256x16x64xf32> to vector<4096x64xf32>
    %sub3A_36 = arith.subf %reshape3A_35, %slice3A_2 : vector<4096x64xf32>
    %get3A_37 = arith.constant 0 : index
    %get3A_38 = arith.constant 0 : index
    %get3A_39 = vector.load %arg8[%get3A_37, %get3A_38] : memref<256x64xf32, #tpu.memory_space<vmem>>, vector<256x64xf32>
    %dot_general3A_40 = arith.constant dense<0.000000e+00> : vector<4096x64xf32>
    %dot_general3A_41 = tpu.matmul %max3A_19, %get3A_39, %dot_general3A_40 {dimension_numbers = #tpu.dot_dimension_numbers<[1], [0], [0], [1], [0, 0, 1, 1], [], []>, transpose_lhs_hint = false} : vector<4096x256xf32>, vector<256x64xf32>, vector<4096x64xf32> -> vector<4096x64xf32>
    %add3A_42 = arith.addf %sub3A_36, %dot_general3A_41 : vector<4096x64xf32>
    %get3A_43 = arith.constant 0 : index
    %get3A_44 = arith.constant 0 : index
    %get3A_45 = vector.load %arg9[%get3A_43, %get3A_44] : memref<1x64xf32, #tpu.memory_space<vmem>>, vector<1x64xf32>
    %add3A_46 = vector.broadcast %get3A_45 : vector<1x64xf32> to vector<4096x64xf32>
    %add3A_47 = arith.addf %add3A_42, %add3A_46 : vector<4096x64xf32>
    %max3A_48 = arith.constant 0.000000e+00 : f32
    %max3A_49 = vector.broadcast %max3A_48 : f32 to vector<4096x64xf32>
    %max3A_50 = arith.maximumf %add3A_47, %max3A_49 : vector<4096x64xf32>
    %get3A_51 = arith.constant 0 : index
    %get3A_52 = arith.constant 0 : index
    %get3A_53 = vector.load %arg10[%get3A_51, %get3A_52] : memref<64x256xf32, #tpu.memory_space<vmem>>, vector<64x256xf32>
    %dot_general3A_54 = arith.constant dense<0.000000e+00> : vector<4096x256xf32>
    %dot_general3A_55 = tpu.matmul %max3A_50, %get3A_53, %dot_general3A_54 {dimension_numbers = #tpu.dot_dimension_numbers<[1], [0], [0], [1], [0, 0, 1, 1], [], []>, transpose_lhs_hint = false} : vector<4096x64xf32>, vector<64x256xf32>, vector<4096x256xf32> -> vector<4096x256xf32>
    %reshape3A_56 = vector.shape_cast %dot_general3A_55 : vector<4096x256xf32> to vector<256x16x256xf32>
    %reduce_max3A = arith.constant dense<0xFF800000> : vector<256x256xf32>
    %reduce_max3A_57 = vector.multi_reduction <maximumf>, %reshape3A_56, %reduce_max3A [1] : vector<256x16x256xf32> to vector<256x256xf32>
    %broadcast_in_dim3A_58 = vector.shape_cast %reduce_max3A_57 : vector<256x256xf32> to vector<256x1x256xf32>
    %sub3A_59 = vector.broadcast %broadcast_in_dim3A_58 : vector<256x1x256xf32> to vector<256x16x256xf32>
    %sub3A_60 = arith.subf %reshape3A_56, %sub3A_59 : vector<256x16x256xf32>
    %exp3A = math.exp %sub3A_60 : vector<256x16x256xf32>
    %reduce_sum3A = arith.constant dense<0.000000e+00> : vector<256x256xf32>
    %reduce_sum3A_61 = vector.multi_reduction <add>, %exp3A, %reduce_sum3A [1] : vector<256x16x256xf32> to vector<256x256xf32>
    %broadcast_in_dim3A_62 = vector.shape_cast %reduce_sum3A_61 : vector<256x256xf32> to vector<256x1x256xf32>
    %div3A = vector.broadcast %broadcast_in_dim3A_62 : vector<256x1x256xf32> to vector<256x16x256xf32>
    %div3A_63 = arith.divf %exp3A, %div3A : vector<256x16x256xf32>
    %reshape3A_64 = vector.shape_cast %slice3A : vector<4096x256xf32> to vector<256x16x256xf32>
    %reshape3A_65 = vector.shape_cast %add3A_29 : vector<4096x256xf32> to vector<256x16x256xf32>
    %add3A_66 = arith.addf %reshape3A_64, %reshape3A_65 : vector<256x16x256xf32>
    %mul3A = arith.mulf %div3A_63, %add3A_66 : vector<256x16x256xf32>
    %reduce_sum3A_67 = arith.constant dense<0.000000e+00> : vector<256x256xf32>
    %reduce_sum3A_68 = vector.multi_reduction <add>, %mul3A, %reduce_sum3A_67 [1] : vector<256x16x256xf32> to vector<256x256xf32>
    %swap3A = arith.constant 0 : index
    %swap3A_69 = arith.constant 0 : index
    %swap3A_70 = vector.load %arg11[%swap3A, %swap3A_69] : memref<256x256xf32, #tpu.memory_space<vmem>>, vector<256x256xf32>
    tpu.vector_store %arg11[%swap3A, %swap3A_69], %reduce_sum3A_68 {strides = array<i32>} : memref<256x256xf32, #tpu.memory_space<vmem>>, vector<256x256xf32>,
    return
  }
  func.func @transform_0(%arg0: i32) -> (i32, i32) {
    %c0_i32 = arith.constant 0 : i32
    %c0_i32_0 = arith.constant 0 : i32
    return %arg0, %c0_i32 : i32, i32
  }
  func.func @transform_1(%arg0: i32) -> (i32, i32) {
    %c0_i32 = arith.constant 0 : i32
    %c0_i32_0 = arith.constant 0 : i32
    return %arg0, %c0_i32 : i32, i32
  }
  func.func @transform_2(%arg0: i32) -> (i32, i32) {
    %c0_i32 = arith.constant 0 : i32
    %c0_i32_0 = arith.constant 0 : i32
    return %arg0, %c0_i32 : i32, i32
  }
  func.func @transform_3(%arg0: i32) -> (i32, i32) {
    %c0_i32 = arith.constant 0 : i32
    %c0_i32_0 = arith.constant 0 : i32
    %c0_i32_1 = arith.constant 0 : i32
    return %c0_i32, %c0_i32_0 : i32, i32
  }
  func.func @transform_4(%arg0: i32) -> (i32, i32) {
    %c0_i32 = arith.constant 0 : i32
    %c0_i32_0 = arith.constant 0 : i32
    %c0_i32_1 = arith.constant 0 : i32
    return %c0_i32, %c0_i32_0 : i32, i32
  }
  func.func @transform_5(%arg0: i32) -> (i32, i32) {
    %c0_i32 = arith.constant 0 : i32
    %c0_i32_0 = arith.constant 0 : i32
    %c0_i32_1 = arith.constant 0 : i32
    return %c0_i32, %c0_i32_0 : i32, i32
  }
  func.func @transform_6(%arg0: i32) -> (i32, i32) {
    %c0_i32 = arith.constant 0 : i32
    %c0_i32_0 = arith.constant 0 : i32
    %c0_i32_1 = arith.constant 0 : i32
    return %c0_i32, %c0_i32_0 : i32, i32
  }
  func.func @transform_7(%arg0: i32) -> (i32, i32) {
    %c0_i32 = arith.constant 0 : i32
    %c0_i32_0 = arith.constant 0 : i32
    %c0_i32_1 = arith.constant 0 : i32
    return %c0_i32, %c0_i32_0 : i32, i32
  }
  func.func @transform_8(%arg0: i32) -> (i32, i32) {
    %c0_i32 = arith.constant 0 : i32
    %c0_i32_0 = arith.constant 0 : i32
    %c0_i32_1 = arith.constant 0 : i32
    return %c0_i32, %c0_i32_0 : i32, i32
  }
  func.func @transform_9(%arg0: i32) -> (i32, i32) {
    %c0_i32 = arith.constant 0 : i32
    %c0_i32_0 = arith.constant 0 : i32
    %c0_i32_1 = arith.constant 0 : i32
    return %c0_i32, %c0_i32_0 : i32, i32
  }
  func.func @transform_10(%arg0: i32) -> (i32, i32) {
    %c0_i32 = arith.constant 0 : i32
    %c0_i32_0 = arith.constant 0 : i32
    return %arg0, %c0_i32 : i32, i32
  }
}

</mosaic_0001>

<sc_bundles>
// kernel: kernel.7.cloned.1.call-start
scs
__scs_entry_jumppad:
0x0: {  	(pc) =	sbr.rel $0x88, $3  }
0x1: {  	(tag) =	ssettag $0x0;
	lr =	simm.s32 $0x1  }
0x2: {  	[smem:$0x3F92] =	sst lr;
	_ =	strace $0xD0000000  }
0x3: {  	_ = 	snop  }
0x4: {  	_ = 	snop  }
0x5: {  	_ = 	snop  }
0x6: {  	_ = 	snop  }
0x7: {  	_ = 	snop  }
__scs_overlays_trampoline_lowered:
0x8: {  	[smem:$0x3FA1] =	sst s0  }
0x9: {  	[smem:$0x3FA2] =	sst s1  }
0xa: {  	[smem:$0x3FA3] =	sst s2  }
0xb: {  	[smem:$0x3FA4] =	sst s3  }
0xc: {  	[smem:$0x3FA5] =	sst s4  }
0xd: {  	[smem:$0x3FA6] =	sst s5  }
0xe: {  	[smem:$0x3FA7] =	sst s6  }
0xf: {  	[smem:$0x3FA8] =	sst s7  }
0x10: {  	[smem:$0x3FA9] =	sst s8  }
0x11: {  	[smem:$0x3FAA] =	sst s9;
	s0 =	simm.s32 @!p0 $0x0  }
0x12: {  	s1 =	sld [smem:$0x3F90];
	s0 =	simm.s32 @p0 $0x1  }
0x13: {  	[smem:$0x3FAB] =	sst s0;
	s0 =	simm.s32 @!p1 $0x0  }
0x14: {  	s2 =	sld [smem:$0x3F8F];
	s0 =	simm.s32 @p1 $0x1  }
0x15: {  	[smem:$0x3FAC] =	sst s0;
	s0 =	simm.s32 @!p2 $0x0  }
0x16: {  	s3 =	sld [smem:$0x3FDB];
	s0 =	simm.s32 @p2 $0x1  }
0x17: {  	s4 =	simm.s32 $0x1BF5;
	[smem:$0x3FAE] =	sst s0  }
0x18: {  	s0 =	sld [smem:$0x3F91];
	_ =	swait.ge [sflag:s4], $0x0  }
0x19: {  	s7 =	sld [smem:$0x3F92]  }
0x1a: {  	s8 =	sadd.s32 $0xFFFFE003, lr  }
0x1b: {  	s9 =	sadd.s32 $0xFFFFFEF7, lr;
	s5 =	simm.s32 $0xFFFFFFFF;
	p2 =	slt.u32 s8, $0xFFFFF086  }
0x1c: {  	p1 =	slt.u32 s9, $0xF7A;
	s5 =	simm.s32 @!p2 $0x0  }
0x1d: {  	s5 =	simm.s32 @p1 $0x1;
	p0 =	seq.s32 s7, s2  }
0x1e: {  	s7 =	smul.u32 @!p0 $0xF7A, s2;
	p2 =	seq.s32 @!p0 s5, $0x0  }
0x1f: {  	s9 =	smul.u32 $0xF7A, s1;
	s8 =	simm.s32 @!p0 $0x1BF5;
	p2 =	por !p2, p0  }
0x20: {  	[sflag:s8] =	ssyncset.s32 @!p0 $0xFFFFF086;
	s6 =	sadd.s32 @!p0 s3, s7;
	s7 =	simm.s32 @!p0 $0x108  }
0x21: {  	s3 =	sadd.s32 s3, s9;
	s6 =	sadd.s32 @!p0 $0x88, s6;
	s7 =	simm.s32 @p2 $0x1082  }
0x22: {  	[simem:s7], [sflag:s8] =	dma.local @!p0 [hbm:s6], $0xF7A  }
0x23: {  	s9 =	sor.u32 $0xD0000000, s2;
	s6 =	simm.s32 $0x108;
	_ =	swait.ge @!p0 [sflag:s8], $0x0  }
0x24: {  	s3 =	sadd.s32 $0x88, s3;
	s6 =	simm.s32 @!p1 $0x1082;
	[sflag:s4] =	ssyncset.s32 $0xFFFFF086  }
0x25: {  	[simem:s6], [sflag:s4] =	dma.local [hbm:s3], $0xF7A  }
0x26: {  	[smem:$0x3F92] =	sst s1;
	(tag) =	ssettag s2;
	_ =	strace s9  }
0x27: {  	s1 =	sld [smem:$0x3FA2]  }
0x28: {  	s2 =	sld [smem:$0x3FA3]  }
0x29: {  	s4 =	sld [smem:$0x3FA5]  }
0x2a: {  	p0 =	seq.s32 s5, $0x0;
	s5 =	sld [smem:$0x3FA6]  }
0x2b: {  	s6 =	sld [smem:$0x3FA7]  }
0x2c: {  	s7 =	sld [smem:$0x3FA8]  }
0x2d: {  	s3 =	simm.s32 $0x108;
	s8 =	sld [smem:$0x3FA9]  }
0x2e: {  	s3 =	simm.s32 @!p0 $0x1082;
	s9 =	sld [smem:$0x3FAA]  }
0x2f: {  	lr =	sadd.s32 s0, s3;
	s0 =	sld [smem:$0x3FA1]  }
0x30: {  	s3 =	sld [smem:$0x3FA4]  }
0x31: {  	[smem:$0x3FAD] =	sst s10  }
0x32: {  	s10 =	sld [smem:$0x3FAB];
	_ =	sdelay $0x3  }
0x33: {  	p0 =	seq.s32 s10, $0x1;
	s10 =	sld [smem:$0x3FAD];
	_ =	sdelay $0x3  }
0x34: {  	[smem:$0x3FAD] =	sst s10  }
0x35: {  	s10 =	sld [smem:$0x3FAC];
	_ =	sdelay $0x3  }
0x36: {  	p1 =	seq.s32 s10, $0x1;
	s10 =	sld [smem:$0x3FAD];
	_ =	sdelay $0x3  }
0x37: {  	[smem:$0x3FAD] =	sst s10  }
0x38: {  	s10 =	sld [smem:$0x3FAE]  }
0x39: {  	_ = 	snop;
	(pc) =	sbr.ind lr, $3  }
0x3a: {  	_ = 	snop  }
0x3b: {  	_ = 	snop  }
0x3c: {  	p2 =	seq.s32 s10, $0x1;
	s10 =	sld [smem:$0x3FAD]  }
0x3d: {  	_ =	shalt  }
0x3e: {  	_ =	shalt  }
0x3f: {  	_ =	shalt  }
0x40: {  	_ =	shalt  }
0x41: {  	_ =	shalt  }
0x42: {  	_ =	shalt  }
0x43: {  	_ =	shalt  }
0x44: {  	_ =	shalt  }
0x45: {  	_ =	shalt  }
0x46: {  	_ =	shalt  }
0x47: {  	_ =	shalt  }
0x48: {  	_ =	shalt  }
0x49: {  	_ =	shalt  }
0x4a: {  	_ =	shalt  }
0x4b: {  	_ =	shalt  }
0x4c: {  	_ =	shalt  }
0x4d: {  	_ =	shalt  }
0x4e: {  	_ =	shalt  }
0x4f: {  	_ =	shalt  }
0x50: {  	_ =	shalt  }
0x51: {  	_ =	shalt  }
0x52: {  	_ =	shalt  }
0x53: {  	_ =	shalt  }
0x54: {  	_ =	shalt  }
0x55: {  	_ =	shalt  }
0x56: {  	_ =	shalt  }
0x57: {  	_ =	shalt  }
0x58: {  	_ =	shalt  }
0x59: {  	_ =	shalt  }
0x5a: {  	_ =	shalt  }
0x5b: {  	_ =	shalt  }
0x5c: {  	_ =	shalt  }
0x5d: {  	_ =	shalt  }
0x5e: {  	_ =	shalt  }
0x5f: {  	_ =	shalt  }
0x60: {  	_ =	shalt  }
0x61: {  	_ =	shalt  }
0x62: {  	_ =	shalt  }
0x63: {  	_ =	shalt  }
0x64: {  	_ =	shalt  }
0x65: {  	_ =	shalt  }
0x66: {  	_ =	shalt  }
0x67: {  	_ =	shalt  }
0x68: {  	_ =	shalt  }
0x69: {  	_ =	shalt  }
0x6a: {  	_ =	shalt  }
0x6b: {  	_ =	shalt  }
0x6c: {  	_ =	shalt  }
0x6d: {  	_ =	shalt  }
0x6e: {  	_ =	shalt  }
0x6f: {  	_ =	shalt  }
0x70: {  	_ =	shalt  }
0x71: {  	_ =	shalt  }
0x72: {  	_ =	shalt  }
0x73: {  	_ =	shalt  }
0x74: {  	_ =	shalt  }
0x75: {  	_ =	shalt  }
0x76: {  	_ =	shalt  }
0x77: {  	_ =	shalt  }
0x78: {  	_ =	shalt  }
0x79: {  	_ =	shalt  }
0x7a: {  	_ =	shalt  }
0x7b: {  	_ =	shalt  }
0x7c: {  	_ =	shalt  }
0x7d: {  	_ =	shalt  }
0x7e: {  	_ =	shalt  }
0x7f: {  	_ =	shalt  }
0x80: {  	_ =	shalt  }
0x81: {  	_ =	shalt  }
0x82: {  	_ =	shalt  }
0x83: {  	_ =	shalt  }
0x84: {  	_ =	shalt  }
0x85: {  	_ =	shalt  }
0x86: {  	_ =	shalt  }
0x87: {  	_ =	shalt  }
.Lfunc_end0:
.L_simem_size_0:
called_computation_lowered:
.L_overlay_start_0:
0x88: {  	s2 =	sld [smem:$0x3FD9]  }
0x89: {  	s3 =	sld [smem:$0x3FFE];
	_ =	sdelay $0x1  }
0x8a: {  	s1 =	srdreg.scid  }
0x8b: {  	s0 =	sand.u32 $0x1, s1  }
0x8c: {  	s16 =	sshll.u32 s0, $0xA;
	s2 =	sadd.s32 s3, s2  }
0x8d: {  	s2 =	sadd.s32 s2, s16  }
0x8e: {  	[smem:$0x3FB9] =	sst s2  }
0x8f: {  	_ = 	snop  }
0x90: {  	(tm) =	ssettm $0x1  }
0x91: {  	s17 =	sld [smem:$0x3FFB];
	_ =	sdelay $0x3  }
0x92: {  	_ =	strace s17  }
0x93: {  	s2 =	sld [smem:$0x3FFC];
	_ =	sdelay $0x3  }
0x94: {  	_ =	strace s2  }
0x95: {  	s2 =	sld [smem:$0x3FFD];
	_ =	sdelay $0x3  }
0x96: {  	_ =	strace s2  }
0x97: {  	_ =	strace $0x8FFFFFFF  }
0x98: {  	s18 =	sld [smem:$0x3FDB];
	_ =	sdelay $0x1  }
0x99: {  	s19 =	simm.s32 $_scs_section_size  }
0x9a: {  	s4 =	simm.s32 $_size__tile_overlayer_lowered;
	s5 =	simm.s32 $_tile_overlayer_lowered  }
0x9b: {  	s22 =	simm.s32 $0x1BFF;
	s21 =	sshll.u32 s5, $0x1;
	s2 =	sadd.s32 s19, s18  }
0x9c: {  	s6 =	simm.s32 $0x0;
	s20 =	sshll.u32 s4, $0x1;
	s4 =	sadd.s32 s21, s2  }
0x9d: {  	[timem:s6], [sflag:s22] =	dma.local [hbm:s4], s20  }
0x9e: {  	_ =	swait.ge [sflag:s22], s20  }
0x9f: {  	s3 =	ssub.s32 $0x0, s20;
	[sflag:s22] =	ssyncset.done $0x0  }
0xa0: {  	[sflag:s22] =	ssyncadd.s32 s3;
	_ =	sdelay $0x1  }
0xa1: {  	s23 =	simm.s32 $0x1B8B  }
0xa2: {  	_ =	swait.ge [sflag:s23], $0x1  }
0xa3: {  	[sflag:s23] =	ssyncset.done $0x0  }
0xa4: {  	s25 =	simm.s32 $0x1B8E;
	s24 =	sld [smem:$0x3FFE];
	[sflag:s23] =	ssyncadd.s32 $0xFFFFFFFF  }
0xa5: {  	s26 =	simm.s32 $execute0_lowered;
	[smem:$0x3FD2] =	sst s25  }
0xa6: {  	s4 =	sshll.u32 s26, $0x1;
	_ =	strace $0x80000046;
	[dreg:$0x1] =	wrdreg $0xFFFFFFFF  }
0xa7: {  	s28 =	simm.s32 $_size_execute0_lowered;
	s2 =	sadd.s32 s2, s4;
	[dreg:$0x0] =	wrdreg $0x0  }
0xa8: {  	s4 =	sshll.u32 s28, $0x1;
	[dreg:$0x2] =	wrdreg s2  }
0xa9: {  	[dreg:$0x3] =	wrdreg s4  }
0xaa: {  	[dreg:$0x4] =	wrdreg $0xC0  }
0xab: {  	_ =	task [dreg:s6], $0x5FFFF  }
0xac: {  	[dreg:$0x1] =	wrdreg $0xFFFFFFFF  }
0xad: {  	[dreg:$0x0] =	wrdreg $0x60  }
0xae: {  	[dreg:$0x2] =	wrdreg s24  }
0xaf: {  	[dreg:$0x3] =	wrdreg $0x9  }
0xb0: {  	_ =	task.clear_ibuf [dreg:s6], $0x4FFFF;
	_ =	strace $0x90000046  }
0xb1: {  	s29 =	simm.s32 $0x9;
	_ =	strace $0x80000048  }
0xb2: {  	_ =	swait.ge [sflag:s29], $0x1  }
0xb3: {  	[sflag:s29] =	ssyncadd.s32 $0xFFFFFFFF  }
0xb4: {  	_ =	strace $0x90000048  }
0xb5: {  	_ =	sfence  }
0xb6: {  	s30 =	sld [smem:$0x0];
	_ =	sdelay $0x2  }
0xb7: {  	s31 =	sshll.u32 s1, $0xD;
	s1 =	sshrl.u32 s1, $0x2  }
0xb8: {  	s3 =	sand.u32 $0x4000, s31;
	s1 =	sadd.s32 s1, s30  }
0xb9: {  	s0 =	sor.u32 s3, s0;
	s1 =	sshll.u32 s1, $0x11  }
0xba: {  	s0 =	sor.u32 s1, s0  }
0xbb: {  	s0 =	sadd.s32 $0x8F2B, s0  }
0xbc: {  	[sflag:s0] =	ssyncadd.remote.s32 $0x1  }
0xbd: {  	_ =	sfence.sel $0xFFFF  }
0xbe: {  	[dreg:$0x0] =	wrdreg $0xFFFFFFFF;
	(pc) =	sbr.abs _section_cstart, $3  }
0xbf: {  	[dreg:$0x1] =	wrdreg $0xFFFFFFFF  }
0xc0: {  	_ =	task.clear_ibuf [dreg:s6], $0x2FFFF;
	_ =	strace $0x9FFFFFFF  }
0xc1: {  	(tm) =	ssettm $0x7FFFFFFF  }
tec
execute0_lowered:
.L_overlay_start_1:
0x0: {  	(tag) =	ssettag $0x1  }
0x1: {  	s0 =	rddreg [dreg:$0x0]  }
0x2: {  	s5 =	stileid.u32;
	s1 =	srdreg.scid  }
0x3: {  	s2 =	simm.s32 $0x0;
	s14 =	simm.s32 $0x880;
	s15 =	simm.s32 $0xC80  }
0x4: {  	s17 =	simm.s32 $0x1480;
	s18 =	simm.s32 $0x1880;
	s19 =	simm.s32 $0x2080  }
0x5: {  	s20 =	simm.s32 $0x2480;
	s21 =	simm.s32 $0x2C80;
	[smem:$0x7FF] =	sst s2  }
0x6: {  	s22 =	simm.s32 $0x3080;
	_ =	strace $0x80000047;
	[dreg:$0x3] =	wrdreg s14  }
0x7: {  	s23 =	simm.s32 $0x3880;
	s25 =	simm.s32 $0x3C80;
	[dreg:$0x4] =	wrdreg s15  }
0x8: {  	s26 =	simm.s32 $0x4480;
	s8 =	simm.s32 $0x80;
	[dreg:$0x5] =	wrdreg s17  }
0x9: {  	s9 =	simm.s32 $0x4880;
	s10 =	simm.s32 $0x5080;
	[dreg:$0x6] =	wrdreg s18  }
0xa: {  	s11 =	simm.s32 $0x5480;
	s28 =	simm.s32 $0xB480;
	[dreg:$0x7] =	wrdreg s19  }
0xb: {  	s29 =	simm.s32 $0xBC80;
	s30 =	simm.s32 $0x1;
	[dreg:$0x8] =	wrdreg s20  }
0xc: {  	s31 =	simm.s32 $0x0;
	s3 =	sshll.u32 s5, $0xB;
	[dreg:$0x9] =	wrdreg s21  }
0xd: {  	s1 =	sand.u32 $0x1, s1;
	s12 =	smul.u32 $0xC0000, s5;
	[dreg:$0xa] =	wrdreg s22  }
0xe: {  	s3 =	sadd.s32 s3, s0;
	s4 =	sshll.u32 s1, $0xA;
	[dreg:$0xb] =	wrdreg s23  }
0xf: {  	s16 =	ssub.s32 $0x2, s1;
	s1 =	smul.u32 $0x60000, s1;
	[dreg:$0xc] =	wrdreg s25  }
0x10: {  	[dreg:$0xd] =	wrdreg s26;
	s14 =	simm.s32 $0x6880;
	s15 =	simm.s32 $0x6C80  }
0x11: {  	s17 =	simm.s32 $0x7880;
	s18 =	simm.s32 $0x8080;
	s19 =	simm.s32 $0x8480  }
0x12: {  	s20 =	simm.s32 $0x8C80;
	s21 =	simm.s32 $0x9080;
	s22 =	simm.s32 $0x9880  }
0x13: {  	s23 =	simm.s32 $0x9C80;
	s25 =	simm.s32 $0xA880;
	s26 =	simm.s32 $0xB080  }
0x14: {  	s3 =	sadd.s32 s4, s3;
	s6 =	sadd.s32 s12, s0;
	s7 =	sshrl.u32 s16, $0x1  }
0x15: {  	s4 =	sadd.s32 $0xC700, s0;
	s12 =	simm.s32 $0x5C80;
	s13 =	sadd.s32 $0x3400, s3  }
0x16: {  	s3 =	sadd.s32 $0xC600, s0;
	s5 =	ssub.s32 s16, s7;
	s1 =	sadd.s32 s1, s6  }
0x17: {  	v2 =	vlaneseq.u32;
	s7 =	simm.s32 $0x2;
	[dreg:$0x2] =	wrdreg s13;
	s5 =	smax.u32 s5, $0x1  }
0x18: {  	vm0 =	vmmov $0xffff;
	vm1 =	vmmov $0xff;
	v1 =	vshrl.u32 v2, $0x3;
	s16 =	simm.s32 $0x7480;
	s24 =	sadd.s32 $0x10C600, s1;
	[dreg:$0xe] =	wrdreg s5  }
0x19: {  	v0 =	vand.u32 $0x7, v2;
	v2 =	vor.u32 $0x8, v2;
	v1 =	vmul.u32 $0x8, v1;
	s13 =	simm.s32 $0x6080;
	[dreg:$0xf] =	wrdreg s24;
	s24 =	simm.s32 $0xA480  }
.LBB2_1:
0x1a: {  	s6 =	rddreg [dreg:$0xf];
	s1 =	simm.s32 $0x0  }
.LBB2_2:
0x1b: {  	s5 =	rddreg [dreg:$0x2]  }
0x1c: {  	s5 =	sadd.s32 s1, s5  }
0x1d: {  	[tilespmem:s2], [sflag:$0x2] =	stream.linear.gather [hbm4b:s5+s2], $0x80, $0x38;
	[tilespmem:$0xC080] =	vst v63  }
0x1e: {  	_ =	swait.ge [sflag:s7], $0x80  }
0x1f: {  	[sflag:s7] =	ssyncset.done $0x0  }
0x20: {  	[sflag:s7] =	ssyncadd.s32 $0xFFFFFF80  }
0x21: {  	v3 =	vld [tilespmem:$0x0];
	_ =	sdelay $0x4  }
0x22: {  	v4 =	vshrl.u32 v3, $0x3  }
0x23: {  	v4 =	vmul.u32 $0x18, v4  }
0x24: {  	v3 =	vand.u32 $0x7, v3  }
0x25: {  	v3 =	vor.u32 v3, v4  }
0x26: {  	v4 =	vperm.xlane v3, v0;
	_ =	sdelay $0x1  }
0x27: {  	v4 =	vadd.s32 v1, v4;
	_ =	sdelay $0x1  }
0x28: {  	v3 =	vperm.xlane v3, v2;
	_ =	sdelay $0x1  }
0x29: {  	v3 =	vadd.s32 v1, v3  }
0x2a: {  	[tilespmem:s8], [sflag:$0x1] =	stream.indirect_vreg.gather [hbm4b:s3+s2], $0x80, v4, vm0, $0xb8;
	[tilespmem:$0xC080] =	vst v63  }
0x2b: {  	s5 =	rddreg [dreg:$0x3]  }
0x2c: {  	[tilespmem:s5], [sflag:$0x1] =	stream.indirect_vreg.gather [hbm4b:s4+s2], $0x80, v4, vm1, $0xb8;
	[tilespmem:$0xC080] =	vst v63  }
0x2d: {  	s0 =	rddreg [dreg:$0x4]  }
0x2e: {  	[tilespmem:s0], [sflag:$0x1] =	stream.indirect_vreg.gather [hbm4b:s3+s2], $0x80, v3, vm0, $0xb8;
	[tilespmem:$0xC080] =	vst v63  }
0x2f: {  	s5 =	rddreg [dreg:$0x5]  }
0x30: {  	[tilespmem:s5], [sflag:$0x1] =	stream.indirect_vreg.gather [hbm4b:s4+s2], $0x80, v3, vm1, $0xb8;
	[tilespmem:$0xC080] =	vst v63  }
0x31: {  	v3 =	vld [tilespmem:$0x10];
	_ =	sdelay $0x4  }
0x32: {  	v57 =	vshrl.u32 v3, $0x3  }
0x33: {  	v4 =	vmul.u32 $0x18, v57  }
0x34: {  	v3 =	vand.u32 $0x7, v3  }
0x35: {  	v3 =	vor.u32 v3, v4  }
0x36: {  	v4 =	vperm.xlane v3, v0;
	_ =	sdelay $0x1  }
0x37: {  	v4 =	vadd.s32 v1, v4;
	_ =	sdelay $0x1  }
0x38: {  	v3 =	vperm.xlane v3, v2;
	_ =	sdelay $0x1  }
0x39: {  	s0 =	rddreg [dreg:$0x6];
	v3 =	vadd.s32 v1, v3  }
0x3a: {  	[tilespmem:s0], [sflag:$0x1] =	stream.indirect_vreg.gather [hbm4b:s3+s2], $0x80, v4, vm0, $0xb8;
	[tilespmem:$0xC080] =	vst v63  }
0x3b: {  	s5 =	rddreg [dreg:$0x7]  }
0x3c: {  	[tilespmem:s5], [sflag:$0x1] =	stream.indirect_vreg.gather [hbm4b:s4+s2], $0x80, v4, vm1, $0xb8;
	[tilespmem:$0xC080] =	vst v63  }
0x3d: {  	s0 =	rddreg [dreg:$0x8]  }
0x3e: {  	[tilespmem:s0], [sflag:$0x1] =	stream.indirect_vreg.gather [hbm4b:s3+s2], $0x80, v3, vm0, $0xb8;
	[tilespmem:$0xC080] =	vst v63  }
0x3f: {  	s5 =	rddreg [dreg:$0x9]  }
0x40: {  	[tilespmem:s5], [sflag:$0x1] =	stream.indirect_vreg.gather [hbm4b:s4+s2], $0x80, v3, vm1, $0xb8;
	[tilespmem:$0xC080] =	vst v63  }
0x41: {  	v3 =	vld [tilespmem:$0x20];
	_ =	sdelay $0x4  }
0x42: {  	v58 =	vshrl.u32 v3, $0x3  }
0x43: {  	v4 =	vmul.u32 $0x18, v58  }
0x44: {  	v3 =	vand.u32 $0x7, v3  }
0x45: {  	v3 =	vor.u32 v3, v4  }
0x46: {  	v4 =	vperm.xlane v3, v0;
	_ =	sdelay $0x1  }
0x47: {  	v4 =	vadd.s32 v1, v4;
	_ =	sdelay $0x1  }
0x48: {  	v3 =	vperm.xlane v3, v2;
	_ =	sdelay $0x1  }
0x49: {  	s0 =	rddreg [dreg:$0xa];
	v3 =	vadd.s32 v1, v3  }
0x4a: {  	[tilespmem:s0], [sflag:$0x1] =	stream.indirect_vreg.gather [hbm4b:s3+s2], $0x80, v4, vm0, $0xb8;
	[tilespmem:$0xC080] =	vst v63  }
0x4b: {  	s5 =	rddreg [dreg:$0xb]  }
0x4c: {  	[tilespmem:s5], [sflag:$0x1] =	stream.indirect_vreg.gather [hbm4b:s4+s2], $0x80, v4, vm1, $0xb8;
	[tilespmem:$0xC080] =	vst v63  }
0x4d: {  	s0 =	rddreg [dreg:$0xc]  }
0x4e: {  	[tilespmem:s0], [sflag:$0x1] =	stream.indirect_vreg.gather [hbm4b:s3+s2], $0x80, v3, vm0, $0xb8;
	[tilespmem:$0xC080] =	vst v63  }
0x4f: {  	s5 =	rddreg [dreg:$0xd]  }
0x50: {  	[tilespmem:s5], [sflag:$0x1] =	stream.indirect_vreg.gather [hbm4b:s4+s2], $0x80, v3, vm1, $0xb8;
	[tilespmem:$0xC080] =	vst v63  }
0x51: {  	v3 =	vld [tilespmem:$0x30];
	_ =	sdelay $0x4  }
0x52: {  	v59 =	vshrl.u32 v3, $0x3  }
0x53: {  	v4 =	vmul.u32 $0x18, v59  }
0x54: {  	v3 =	vand.u32 $0x7, v3  }
0x55: {  	v3 =	vor.u32 v3, v4  }
0x56: {  	v4 =	vperm.xlane v3, v0;
	_ =	sdelay $0x1  }
0x57: {  	v4 =	vadd.s32 v1, v4;
	_ =	sdelay $0x1  }
0x58: {  	v3 =	vperm.xlane v3, v2;
	_ =	sdelay $0x1  }
0x59: {  	v3 =	vadd.s32 v1, v3  }
0x5a: {  	[tilespmem:s9], [sflag:$0x1] =	stream.indirect_vreg.gather [hbm4b:s3+s2], $0x80, v4, vm0, $0xb8;
	[tilespmem:$0xC080] =	vst v63  }
0x5b: {  	_ = 	snop  }
0x5c: {  	[tilespmem:s10], [sflag:$0x1] =	stream.indirect_vreg.gather [hbm4b:s4+s2], $0x80, v4, vm1, $0xb8;
	[tilespmem:$0xC080] =	vst v63  }
0x5d: {  	_ = 	snop  }
0x5e: {  	[tilespmem:s11], [sflag:$0x1] =	stream.indirect_vreg.gather [hbm4b:s3+s2], $0x80, v3, vm0, $0xb8;
	[tilespmem:$0xC080] =	vst v63  }
0x5f: {  	_ = 	snop  }
0x60: {  	[tilespmem:s12], [sflag:$0x1] =	stream.indirect_vreg.gather [hbm4b:s4+s2], $0x80, v3, vm1, $0xb8;
	[tilespmem:$0xC080] =	vst v63  }
0x61: {  	v3 =	vld [tilespmem:$0x40];
	_ =	sdelay $0x4  }
0x62: {  	v60 =	vshrl.u32 v3, $0x3  }
0x63: {  	v4 =	vmul.u32 $0x18, v60  }
0x64: {  	v3 =	vand.u32 $0x7, v3  }
0x65: {  	v3 =	vor.u32 v3, v4  }
0x66: {  	v4 =	vperm.xlane v3, v0;
	_ =	sdelay $0x1  }
0x67: {  	v4 =	vadd.s32 v1, v4;
	_ =	sdelay $0x1  }
0x68: {  	v3 =	vperm.xlane v3, v2;
	_ =	sdelay $0x1  }
0x69: {  	v3 =	vadd.s32 v1, v3  }
0x6a: {  	[tilespmem:s13], [sflag:$0x1] =	stream.indirect_vreg.gather [hbm4b:s3+s2], $0x80, v4, vm0, $0xb8;
	[tilespmem:$0xC080] =	vst v63  }
0x6b: {  	_ = 	snop  }
0x6c: {  	[tilespmem:s14], [sflag:$0x1] =	stream.indirect_vreg.gather [hbm4b:s4+s2], $0x80, v4, vm1, $0xb8;
	[tilespmem:$0xC080] =	vst v63  }
0x6d: {  	_ = 	snop  }
0x6e: {  	[tilespmem:s15], [sflag:$0x1] =	stream.indirect_vreg.gather [hbm4b:s3+s2], $0x80, v3, vm0, $0xb8;
	[tilespmem:$0xC080] =	vst v63  }
0x6f: {  	_ = 	snop  }
0x70: {  	[tilespmem:s16], [sflag:$0x1] =	stream.indirect_vreg.gather [hbm4b:s4+s2], $0x80, v3, vm1, $0xb8;
	[tilespmem:$0xC080] =	vst v63  }
0x71: {  	v3 =	vld [tilespmem:$0x50];
	_ =	sdelay $0x4  }
0x72: {  	v61 =	vshrl.u32 v3, $0x3  }
0x73: {  	v4 =	vmul.u32 $0x18, v61  }
0x74: {  	v3 =	vand.u32 $0x7, v3  }
0x75: {  	v3 =	vor.u32 v3, v4  }
0x76: {  	v4 =	vperm.xlane v3, v0;
	_ =	sdelay $0x1  }
0x77: {  	v4 =	vadd.s32 v1, v4;
	_ =	sdelay $0x1  }
0x78: {  	v3 =	vperm.xlane v3, v2;
	_ =	sdelay $0x1  }
0x79: {  	v3 =	vadd.s32 v1, v3  }
0x7a: {  	[tilespmem:s17], [sflag:$0x1] =	stream.indirect_vreg.gather [hbm4b:s3+s2], $0x80, v4, vm0, $0xb8;
	[tilespmem:$0xC080] =	vst v63  }
0x7b: {  	_ = 	snop  }
0x7c: {  	[tilespmem:s18], [sflag:$0x1] =	stream.indirect_vreg.gather [hbm4b:s4+s2], $0x80, v4, vm1, $0xb8;
	[tilespmem:$0xC080] =	vst v63  }
0x7d: {  	_ = 	snop  }
0x7e: {  	[tilespmem:s19], [sflag:$0x1] =	stream.indirect_vreg.gather [hbm4b:s3+s2], $0x80, v3, vm0, $0xb8;
	[tilespmem:$0xC080] =	vst v63  }
0x7f: {  	_ = 	snop  }
0x80: {  	[tilespmem:s20], [sflag:$0x1] =	stream.indirect_vreg.gather [hbm4b:s4+s2], $0x80, v3, vm1, $0xb8;
	[tilespmem:$0xC080] =	vst v63  }
0x81: {  	v3 =	vld [tilespmem:$0x60];
	_ =	sdelay $0x4  }
0x82: {  	v62 =	vshrl.u32 v3, $0x3  }
0x83: {  	v4 =	vmul.u32 $0x18, v62  }
0x84: {  	v3 =	vand.u32 $0x7, v3  }
0x85: {  	v3 =	vor.u32 v3, v4  }
0x86: {  	v4 =	vperm.xlane v3, v0;
	_ =	sdelay $0x1  }
0x87: {  	v4 =	vadd.s32 v1, v4;
	_ =	sdelay $0x1  }
0x88: {  	v3 =	vperm.xlane v3, v2;
	_ =	sdelay $0x1  }
0x89: {  	v3 =	vadd.s32 v1, v3  }
0x8a: {  	[tilespmem:s21], [sflag:$0x1] =	stream.indirect_vreg.gather [hbm4b:s3+s2], $0x80, v4, vm0, $0xb8;
	[tilespmem:$0xC080] =	vst v63  }
0x8b: {  	_ = 	snop  }
0x8c: {  	[tilespmem:s22], [sflag:$0x1] =	stream.indirect_vreg.gather [hbm4b:s4+s2], $0x80, v4, vm1, $0xb8;
	[tilespmem:$0xC080] =	vst v63  }
0x8d: {  	_ = 	snop  }
0x8e: {  	[tilespmem:s23], [sflag:$0x1] =	stream.indirect_vreg.gather [hbm4b:s3+s2], $0x80, v3, vm0, $0xb8;
	[tilespmem:$0xC080] =	vst v63  }
0x8f: {  	_ = 	snop  }
0x90: {  	[tilespmem:s24], [sflag:$0x1] =	stream.indirect_vreg.gather [hbm4b:s4+s2], $0x80, v3, vm1, $0xb8;
	[tilespmem:$0xC080] =	vst v63  }
0x91: {  	v3 =	vld [tilespmem:$0x70];
	_ =	sdelay $0x4  }
0x92: {  	v63 =	vshrl.u32 v3, $0x3  }
0x93: {  	v4 =	vmul.u32 $0x18, v63  }
0x94: {  	v3 =	vand.u32 $0x7, v3  }
0x95: {  	v3 =	vor.u32 v3, v4  }
0x96: {  	v4 =	vperm.xlane v3, v0;
	_ =	sdelay $0x1  }
0x97: {  	v4 =	vadd.s32 v1, v4;
	_ =	sdelay $0x1  }
0x98: {  	v3 =	vperm.xlane v3, v2;
	_ =	sdelay $0x1  }
0x99: {  	v3 =	vadd.s32 v1, v3  }
0x9a: {  	[tilespmem:s25], [sflag:$0x1] =	stream.indirect_vreg.gather [hbm4b:s3+s2], $0x80, v4, vm0, $0xb8;
	[tilespmem:$0xC080] =	vst v63  }
0x9b: {  	_ = 	snop  }
0x9c: {  	[tilespmem:s26], [sflag:$0x1] =	stream.indirect_vreg.gather [hbm4b:s4+s2], $0x80, v4, vm1, $0xb8;
	[tilespmem:$0xC080] =	vst v63  }
0x9d: {  	_ = 	snop  }
0x9e: {  	[tilespmem:s28], [sflag:$0x1] =	stream.indirect_vreg.gather [hbm4b:s3+s2], $0x80, v3, vm0, $0xb8;
	[tilespmem:$0xC080] =	vst v63  }
0x9f: {  	_ = 	snop  }
0xa0: {  	[tilespmem:s29], [sflag:$0x1] =	stream.indirect_vreg.gather [hbm4b:s4+s2], $0x80, v3, vm1, $0xb8;
	[tilespmem:$0xC080] =	vst v63  }
0xa1: {  	_ =	swait.ge [sflag:s30], $0xC000  }
0xa2: {  	p0 =	sne.s32 s1, $0x3F0;
	[sflag:s30] =	ssyncset.done $0x0  }
.Ltmp0:
0xa3: {  	[sflag:s30] =	ssyncadd.s32 $0xFFFF4000;
	(pc) =	sbr.rel @p0 .LBB2_2-.Ltmp0, $4  }
0xa4: {  	[hbm4b:s6+s2] =	stream.linear.scatter [tilespmem:s8], [sflag:$0x2], $0xC000, $0x38;
	[tilespmem:$0xC080] =	vst v63  }
0xa5: {  	_ =	swait.ge [sflag:s7], $0xC000  }
0xa6: {  	[sflag:s7] =	ssyncset.done $0x0  }
0xa7: {  	s1 =	sadd.s32 $0x10, s1;
	s6 =	sadd.s32 $0x1800, s6;
	[sflag:s7] =	ssyncadd.s32 $0xFFFF4000  }
0xa8: {  	s31 =	sadd.s32 $0x1, s31;
	s0 =	rddreg [dreg:$0xe]  }
0xa9: {  	p0 =	sne.s32 s31, s0  }
.Ltmp1:
0xaa: {  	_ = 	snop;
	(pc) =	sbr.rel @p0 .LBB2_1-.Ltmp1, $1  }
0xab: {  	_ =	sdelay $0x3  }
0xac: {  	_ =	sfence.sel $0x180000  }
0xad: {  	[bflag:$0x0] =	sbarrier.arrive $0xFFFF  }
0xae: {  	_ =	strace $0x90000047  }
0xaf: {  	s0 =	stileid.u32;
	[bflag:$0x2] =	sbarrier.arrive $0xFFFF  }
0xb0: {  	p0 =	sne.s32 s0, $0x0;
	s0 =	rddreg [dreg:$0x1]  }
0xb1: {  	s0 =	sadd.s32 @!p0 $0x100000, s0  }
0xb2: {  	[sflag:s0] =	ssyncadd.tile.s32 @!p0 $0x1;
	_ =	shalt  }
.Lfunc_end2:
_tile_overlayer_lowered:
.L_overlay_start_2:
0xb3: {  	(tag) =	ssettag $0x2  }
0xb4: {  	s0 =	rddreg [dreg:$0x0];
	s2 =	stileid.u32  }
0xb5: {  	s1 =	rddreg [dreg:$0x1];
	p0 =	sne.s32 s2, $0x0  }
0xb6: {  	s3 =	rddreg [dreg:$0x2];
	[bflag:$0x3] =	sbarrier.arrive $0xFFFF;
	s2 =	simm.s32 @!p0 $0x1C02  }
0xb7: {  	[timem:s3], [sflag:s2] =	dma.local @!p0 [hbm:s0], s1  }
0xb8: {  	s0 =	simm.s32 @!p0 $0x2  }
0xb9: {  	_ =	swait.ge @!p0 [sflag:s0], s1  }
0xba: {  	s1 =	ssub.s32 @!p0 $0x0, s1;
	[sflag:s0] =	ssyncset.done @!p0 $0x0  }
0xbb: {  	[sflag:s0] =	ssyncadd.s32 @!p0 s1  }
0xbc: {  	[bflag:$0x3] =	sbarrier.arrive $0xFFFF  }
0xbd: {  	_ =	shalt  }

</sc_bundles>
